<compile_context>
chip_gen: v7x
topology: tpu7x:2x2x1
jax: 0.10.2.dev20260603
libtpu: 0.0.44.dev20260713+nightly
codegen_flags: <defaults>
</compile_context>

<pallas_src>
import dataclasses

import jax
import jax.numpy as jnp
from jax import lax
from jax.experimental import pallas as pl
from jax.experimental.pallas import tpu as pltpu
from jax.experimental.pallas import tpu_sc as plsc

B = 16384
F = 26
NW = 32
BPW = B // NW
IPW = BPW * F
L = 16
INPUT_ROWS = 1000000
WPAD = 1000448


def _sc_body(idx_hbm, w_hbm, out_hbm, idx_v, vals_v, b_v, out_v, sem, gsem):
    wid = lax.axis_index("s") * 2 + lax.axis_index("c")
    row_copies = [
        pltpu.async_copy(
            idx_hbm.at[f, pl.ds(wid * BPW, BPW)], idx_v.at[pl.ds(f * BPW, BPW)], sem
        )
        for f in range(F)
    ]
    b_copy = pltpu.async_copy(w_hbm.at[pl.ds(INPUT_ROWS, L)], b_v, sem)
    FH = 3
    HALF = FH * BPW
    for f in range(FH):
        row_copies[f].wait()
    g0 = pltpu.async_copy(
        w_hbm.at[idx_v.at[pl.ds(0, HALF)]], vals_v.at[pl.ds(0, HALF)], gsem
    )
    for f in range(FH, F):
        row_copies[f].wait()
    g1 = pltpu.async_copy(
        w_hbm.at[idx_v.at[pl.ds(HALF, IPW - HALF)]],
        vals_v.at[pl.ds(HALF, IPW - HALF)],
        gsem,
    )

    b_copy.wait()
    bias = b_v[...]
    g0.wait()

    def _tree_sum(terms):
        while len(terms) > 1:
            terms = [
                terms[i] + terms[i + 1] if i + 1 < len(terms) else terms[i]
                for i in range(0, len(terms), 2)
            ]
        return terms[0]

    @pl.loop(0, BPW, step=L)
    def _(c):
        terms = [bias] + [vals_v[pl.ds(f * BPW + c, L)] for f in range(FH)]
        out_v[pl.ds(c, L)] = _tree_sum(terms)

    g1.wait()

    @pl.loop(0, BPW, step=L)
    def _(c):
        terms = [out_v[pl.ds(c, L)]] + [
            vals_v[pl.ds(f * BPW + c, L)] for f in range(FH, F)
        ]
        acc = _tree_sum(terms)
        out_v[pl.ds(c, L)] = 1.0 / (1.0 + jnp.exp(-acc))

    pltpu.sync_copy(out_v, out_hbm.at[pl.ds(wid * BPW, BPW)])


def kernel(indices, w, b):
    idx_t = indices.astype(jnp.int32).T
    CUT = 999424
    w_main = jax.lax.slice(w, (0, 0), (CUT, 1)).reshape(CUT)
    w_tail = jax.lax.slice(w, (CUT, 0), (INPUT_ROWS, 1))
    b_rep = jnp.broadcast_to(b.astype(jnp.float32).reshape(1, 1), (L, 1))
    w_tail = jnp.concatenate([w_tail, b_rep], axis=0)
    w_tail = jnp.pad(w_tail, ((0, WPAD - INPUT_ROWS - L), (0, 0))).reshape(WPAD - CUT)
    w_flat = jnp.concatenate([w_main, w_tail])

    cp = pltpu.CompilerParams()
    if "needs_layout_passes" in pltpu.CompilerParams.__dataclass_fields__:
        cp = dataclasses.replace(cp, needs_layout_passes=False)
    mesh = plsc.VectorSubcoreMesh(core_axis_name="c", subcore_axis_name="s")
    sc_fn = pl.kernel(
        _sc_body,
        out_type=jax.ShapeDtypeStruct((B,), jnp.float32),
        mesh=mesh,
        compiler_params=cp,
        scratch_types=[
            pltpu.VMEM((IPW,), jnp.int32),
            pltpu.VMEM((IPW,), jnp.float32),
            pltpu.VMEM((L,), jnp.float32),
            pltpu.VMEM((BPW,), jnp.float32),
            pltpu.SemaphoreType.DMA,
            pltpu.SemaphoreType.DMA,
        ],
    )
    return sc_fn(idx_t, w_flat)

# --- scband reference (transcript-rebuilt; emitter-appended) ---
"""Pipeline reference for scband-lr-16217796509940 (READ-ONLY COPY).

The authoritative reference and input builder live on the scoring server;
editing this copy changes nothing except your own understanding.
"""

import jax, jax.numpy as jnp
import numpy as np

INPUT_DIM = 1000000
OUTPUT_DIM = 1
BATCH = 16384
N_FIELDS = 26


def setup_inputs(seed: int = 0) -> dict:
    key = jax.random.key(seed)
    k_idx, k_w = jax.random.split(key)
    indices = jax.random.randint(k_idx, (BATCH, N_FIELDS), 0, INPUT_DIM, dtype=jnp.int64 if jax.config.jax_enable_x64 else jnp.int32)
    # xavier uniform init for w: maxval = sqrt(6 / (input_dim + output_dim))
    maxval = np.sqrt(6.0 / (INPUT_DIM + OUTPUT_DIM))
    w = jax.random.uniform(k_w, (INPUT_DIM, OUTPUT_DIM), minval=-maxval, maxval=maxval, dtype=jnp.float32)
    b = jnp.zeros((OUTPUT_DIM,), dtype=jnp.float32)
    return {"indices": indices, "w": w, "b": b}


def reference(indices, w, b):
    # Original: X is a sparse [batch, input_dim] one-hot-per-field matrix with values 1.0.
    # tf.sparse_tensor_dense_matmul(X, w) == sum of gathered embedding rows per example.
    gathered = jnp.take(w, indices, axis=0)          # [B, F, output_dim] -- SparseCore gather
    xw = jnp.sum(gathered, axis=1)                   # [B, output_dim]
    logits = jnp.reshape(xw + b, (-1,))              # [B]
    y_prob = jax.nn.sigmoid(logits)
    return y_prob

if __name__ == "__main__":
    import jax
    _d = setup_inputs()
    print(jax.jit(kernel)(*tuple(_d.values())))

</pallas_src>

<mosaic_0001>
#map = affine_map<(d0, d1) -> (0, 0)>
#map1 = affine_map<(d0, d1) -> (0)>
module attributes {stable_mosaic.version = 14 : i64} {
  func.func @_sc_body(%arg0: i32, %arg1: i32, %arg2: memref<26x16384xi32, #tpu.memory_space<hbm>>, %arg3: memref<1000448xf32, #tpu.memory_space<hbm>>, %arg4: memref<16384xf32, #tpu.memory_space<hbm>>, %arg5: memref<13312xi32, #tpu.memory_space<vmem>>, %arg6: memref<13312xf32, #tpu.memory_space<vmem>>, %arg7: memref<16xf32, #tpu.memory_space<vmem>>, %arg8: memref<512xf32, #tpu.memory_space<vmem>>, %arg9: memref<!tpu.dma_semaphore, #tpu.memory_space<semaphore_mem>>, %arg10: memref<!tpu.dma_semaphore, #tpu.memory_space<semaphore_mem>>) attributes {dimension_semantics = [#tpu.dimension_semantics<core_parallel>, #tpu.dimension_semantics<subcore_parallel>], iteration_bounds = array<i64: 2, 16>, scalar_prefetch = 0 : i64, scratch_operands = 6 : i64, tpu.core_type = #tpu.core_type<sc_vector_subcore>, window_params = [{transform_indices = #map}, {transform_indices = #map1}, {transform_indices = #map1}]} {
    %mul3A = arith.constant 2 : i32
    %mul3A_0 = arith.muli %arg1, %mul3A : i32
    %add3A = arith.addi %mul3A_0, %arg0 : i32
    %mul3A_1 = arith.constant 512 : i32
    %mul3A_2 = arith.muli %add3A, %mul3A_1 : i32
    %dma_start3A = arith.constant 0 : i32
    %dma_start3A_3 = arith.constant 0 : i32
    %dma_start3A_4 = tpu.memref_slice %arg5[%dma_start3A_3] : memref<13312xi32, #tpu.memory_space<vmem>> -> memref<512xi32, #tpu.memory_space<vmem>>
    %dma_start3A_5 = tpu.memref_slice %arg2[%dma_start3A, %mul3A_2] : memref<26x16384xi32, #tpu.memory_space<hbm>> -> memref<1x512xi32, #tpu.memory_space<hbm>>
    %dma_start3A_6 = tpu.memref_squeeze %dma_start3A_5 : memref<1x512xi32, #tpu.memory_space<hbm>> -> memref<512xi32, #tpu.memory_space<hbm>>
    %dma_start3A_7 = arith.constant 0 : i32
    %dma_start3A_8 = tpu.memref_slice %arg5[%dma_start3A_7] : memref<13312xi32, #tpu.memory_space<vmem>> -> memref<512xi32, #tpu.memory_space<vmem>>
    %dma_start3A_9 = tpu.memref_slice %arg2[%dma_start3A, %mul3A_2] : memref<26x16384xi32, #tpu.memory_space<hbm>> -> memref<1x512xi32, #tpu.memory_space<hbm>>
    %dma_start3A_10 = tpu.memref_squeeze %dma_start3A_9 : memref<1x512xi32, #tpu.memory_space<hbm>> -> memref<512xi32, #tpu.memory_space<hbm>>
    tpu.enqueue_dma source(%dma_start3A_10 : memref<512xi32, #tpu.memory_space<hbm>>) target(%dma_start3A_8 : memref<512xi32, #tpu.memory_space<vmem>>) target_semaphore(%arg9 : memref<!tpu.dma_semaphore, #tpu.memory_space<semaphore_mem>>)
    %mul3A_11 = arith.constant 512 : i32
    %mul3A_12 = arith.muli %add3A, %mul3A_11 : i32
    %dma_start3A_13 = arith.constant 1 : i32
    %dma_start3A_14 = arith.constant 512 : i32
    %dma_start3A_15 = tpu.memref_slice %arg5[%dma_start3A_14] : memref<13312xi32, #tpu.memory_space<vmem>> -> memref<512xi32, #tpu.memory_space<vmem>>
    %dma_start3A_16 = tpu.memref_slice %arg2[%dma_start3A_13, %mul3A_12] : memref<26x16384xi32, #tpu.memory_space<hbm>> -> memref<1x512xi32, #tpu.memory_space<hbm>>
    %dma_start3A_17 = tpu.memref_squeeze %dma_start3A_16 : memref<1x512xi32, #tpu.memory_space<hbm>> -> memref<512xi32, #tpu.memory_space<hbm>>
    %dma_start3A_18 = arith.constant 512 : i32
    %dma_start3A_19 = tpu.memref_slice %arg5[%dma_start3A_18] : memref<13312xi32, #tpu.memory_space<vmem>> -> memref<512xi32, #tpu.memory_space<vmem>>
    %dma_start3A_20 = tpu.memref_slice %arg2[%dma_start3A_13, %mul3A_12] : memref<26x16384xi32, #tpu.memory_space<hbm>> -> memref<1x512xi32, #tpu.memory_space<hbm>>
    %dma_start3A_21 = tpu.memref_squeeze %dma_start3A_20 : memref<1x512xi32, #tpu.memory_space<hbm>> -> memref<512xi32, #tpu.memory_space<hbm>>
    tpu.enqueue_dma source(%dma_start3A_21 : memref<512xi32, #tpu.memory_space<hbm>>) target(%dma_start3A_19 : memref<512xi32, #tpu.memory_space<vmem>>) target_semaphore(%arg9 : memref<!tpu.dma_semaphore, #tpu.memory_space<semaphore_mem>>)
    %mul3A_22 = arith.constant 512 : i32
    %mul3A_23 = arith.muli %add3A, %mul3A_22 : i32
    %dma_start3A_24 = arith.constant 2 : i32
    %dma_start3A_25 = arith.constant 1024 : i32
    %dma_start3A_26 = tpu.memref_slice %arg5[%dma_start3A_25] : memref<13312xi32, #tpu.memory_space<vmem>> -> memref<512xi32, #tpu.memory_space<vmem>>
    %dma_start3A_27 = tpu.memref_slice %arg2[%dma_start3A_24, %mul3A_23] : memref<26x16384xi32, #tpu.memory_space<hbm>> -> memref<1x512xi32, #tpu.memory_space<hbm>>
    %dma_start3A_28 = tpu.memref_squeeze %dma_start3A_27 : memref<1x512xi32, #tpu.memory_space<hbm>> -> memref<512xi32, #tpu.memory_space<hbm>>
    %dma_start3A_29 = arith.constant 1024 : i32
    %dma_start3A_30 = tpu.memref_slice %arg5[%dma_start3A_29] : memref<13312xi32, #tpu.memory_space<vmem>> -> memref<512xi32, #tpu.memory_space<vmem>>
    %dma_start3A_31 = tpu.memref_slice %arg2[%dma_start3A_24, %mul3A_23] : memref<26x16384xi32, #tpu.memory_space<hbm>> -> memref<1x512xi32, #tpu.memory_space<hbm>>
    %dma_start3A_32 = tpu.memref_squeeze %dma_start3A_31 : memref<1x512xi32, #tpu.memory_space<hbm>> -> memref<512xi32, #tpu.memory_space<hbm>>
    tpu.enqueue_dma source(%dma_start3A_32 : memref<512xi32, #tpu.memory_space<hbm>>) target(%dma_start3A_30 : memref<512xi32, #tpu.memory_space<vmem>>) target_semaphore(%arg9 : memref<!tpu.dma_semaphore, #tpu.memory_space<semaphore_mem>>)
    %mul3A_33 = arith.constant 512 : i32
    %mul3A_34 = arith.muli %add3A, %mul3A_33 : i32
    %dma_start3A_35 = arith.constant 3 : i32
    %dma_start3A_36 = arith.constant 1536 : i32
    %dma_start3A_37 = tpu.memref_slice %arg5[%dma_start3A_36] : memref<13312xi32, #tpu.memory_space<vmem>> -> memref<512xi32, #tpu.memory_space<vmem>>
    %dma_start3A_38 = tpu.memref_slice %arg2[%dma_start3A_35, %mul3A_34] : memref<26x16384xi32, #tpu.memory_space<hbm>> -> memref<1x512xi32, #tpu.memory_space<hbm>>
    %dma_start3A_39 = tpu.memref_squeeze %dma_start3A_38 : memref<1x512xi32, #tpu.memory_space<hbm>> -> memref<512xi32, #tpu.memory_space<hbm>>
    %dma_start3A_40 = arith.constant 1536 : i32
    %dma_start3A_41 = tpu.memref_slice %arg5[%dma_start3A_40] : memref<13312xi32, #tpu.memory_space<vmem>> -> memref<512xi32, #tpu.memory_space<vmem>>
    %dma_start3A_42 = tpu.memref_slice %arg2[%dma_start3A_35, %mul3A_34] : memref<26x16384xi32, #tpu.memory_space<hbm>> -> memref<1x512xi32, #tpu.memory_space<hbm>>
    %dma_start3A_43 = tpu.memref_squeeze %dma_start3A_42 : memref<1x512xi32, #tpu.memory_space<hbm>> -> memref<512xi32, #tpu.memory_space<hbm>>
    tpu.enqueue_dma source(%dma_start3A_43 : memref<512xi32, #tpu.memory_space<hbm>>) target(%dma_start3A_41 : memref<512xi32, #tpu.memory_space<vmem>>) target_semaphore(%arg9 : memref<!tpu.dma_semaphore, #tpu.memory_space<semaphore_mem>>)
    %mul3A_44 = arith.constant 512 : i32
    %mul3A_45 = arith.muli %add3A, %mul3A_44 : i32
    %dma_start3A_46 = arith.constant 4 : i32
    %dma_start3A_47 = arith.constant 2048 : i32
    %dma_start3A_48 = tpu.memref_slice %arg5[%dma_start3A_47] : memref<13312xi32, #tpu.memory_space<vmem>> -> memref<512xi32, #tpu.memory_space<vmem>>
    %dma_start3A_49 = tpu.memref_slice %arg2[%dma_start3A_46, %mul3A_45] : memref<26x16384xi32, #tpu.memory_space<hbm>> -> memref<1x512xi32, #tpu.memory_space<hbm>>
    %dma_start3A_50 = tpu.memref_squeeze %dma_start3A_49 : memref<1x512xi32, #tpu.memory_space<hbm>> -> memref<512xi32, #tpu.memory_space<hbm>>
    %dma_start3A_51 = arith.constant 2048 : i32
    %dma_start3A_52 = tpu.memref_slice %arg5[%dma_start3A_51] : memref<13312xi32, #tpu.memory_space<vmem>> -> memref<512xi32, #tpu.memory_space<vmem>>
    %dma_start3A_53 = tpu.memref_slice %arg2[%dma_start3A_46, %mul3A_45] : memref<26x16384xi32, #tpu.memory_space<hbm>> -> memref<1x512xi32, #tpu.memory_space<hbm>>
    %dma_start3A_54 = tpu.memref_squeeze %dma_start3A_53 : memref<1x512xi32, #tpu.memory_space<hbm>> -> memref<512xi32, #tpu.memory_space<hbm>>
    tpu.enqueue_dma source(%dma_start3A_54 : memref<512xi32, #tpu.memory_space<hbm>>) target(%dma_start3A_52 : memref<512xi32, #tpu.memory_space<vmem>>) target_semaphore(%arg9 : memref<!tpu.dma_semaphore, #tpu.memory_space<semaphore_mem>>)
    %mul3A_55 = arith.constant 512 : i32
    %mul3A_56 = arith.muli %add3A, %mul3A_55 : i32
    %dma_start3A_57 = arith.constant 5 : i32
    %dma_start3A_58 = arith.constant 2560 : i32
    %dma_start3A_59 = tpu.memref_slice %arg5[%dma_start3A_58] : memref<13312xi32, #tpu.memory_space<vmem>> -> memref<512xi32, #tpu.memory_space<vmem>>
    %dma_start3A_60 = tpu.memref_slice %arg2[%dma_start3A_57, %mul3A_56] : memref<26x16384xi32, #tpu.memory_space<hbm>> -> memref<1x512xi32, #tpu.memory_space<hbm>>
    %dma_start3A_61 = tpu.memref_squeeze %dma_start3A_60 : memref<1x512xi32, #tpu.memory_space<hbm>> -> memref<512xi32, #tpu.memory_space<hbm>>
    %dma_start3A_62 = arith.constant 2560 : i32
    %dma_start3A_63 = tpu.memref_slice %arg5[%dma_start3A_62] : memref<13312xi32, #tpu.memory_space<vmem>> -> memref<512xi32, #tpu.memory_space<vmem>>
    %dma_start3A_64 = tpu.memref_slice %arg2[%dma_start3A_57, %mul3A_56] : memref<26x16384xi32, #tpu.memory_space<hbm>> -> memref<1x512xi32, #tpu.memory_space<hbm>>
    %dma_start3A_65 = tpu.memref_squeeze %dma_start3A_64 : memref<1x512xi32, #tpu.memory_space<hbm>> -> memref<512xi32, #tpu.memory_space<hbm>>
    tpu.enqueue_dma source(%dma_start3A_65 : memref<512xi32, #tpu.memory_space<hbm>>) target(%dma_start3A_63 : memref<512xi32, #tpu.memory_space<vmem>>) target_semaphore(%arg9 : memref<!tpu.dma_semaphore, #tpu.memory_space<semaphore_mem>>)
    %mul3A_66 = arith.constant 512 : i32
    %mul3A_67 = arith.muli %add3A, %mul3A_66 : i32
    %dma_start3A_68 = arith.constant 6 : i32
    %dma_start3A_69 = arith.constant 3072 : i32
    %dma_start3A_70 = tpu.memref_slice %arg5[%dma_start3A_69] : memref<13312xi32, #tpu.memory_space<vmem>> -> memref<512xi32, #tpu.memory_space<vmem>>
    %dma_start3A_71 = tpu.memref_slice %arg2[%dma_start3A_68, %mul3A_67] : memref<26x16384xi32, #tpu.memory_space<hbm>> -> memref<1x512xi32, #tpu.memory_space<hbm>>
    %dma_start3A_72 = tpu.memref_squeeze %dma_start3A_71 : memref<1x512xi32, #tpu.memory_space<hbm>> -> memref<512xi32, #tpu.memory_space<hbm>>
    %dma_start3A_73 = arith.constant 3072 : i32
    %dma_start3A_74 = tpu.memref_slice %arg5[%dma_start3A_73] : memref<13312xi32, #tpu.memory_space<vmem>> -> memref<512xi32, #tpu.memory_space<vmem>>
    %dma_start3A_75 = tpu.memref_slice %arg2[%dma_start3A_68, %mul3A_67] : memref<26x16384xi32, #tpu.memory_space<hbm>> -> memref<1x512xi32, #tpu.memory_space<hbm>>
    %dma_start3A_76 = tpu.memref_squeeze %dma_start3A_75 : memref<1x512xi32, #tpu.memory_space<hbm>> -> memref<512xi32, #tpu.memory_space<hbm>>
    tpu.enqueue_dma source(%dma_start3A_76 : memref<512xi32, #tpu.memory_space<hbm>>) target(%dma_start3A_74 : memref<512xi32, #tpu.memory_space<vmem>>) target_semaphore(%arg9 : memref<!tpu.dma_semaphore, #tpu.memory_space<semaphore_mem>>)
    %mul3A_77 = arith.constant 512 : i32
    %mul3A_78 = arith.muli %add3A, %mul3A_77 : i32
    %dma_start3A_79 = arith.constant 7 : i32
    %dma_start3A_80 = arith.constant 3584 : i32
    %dma_start3A_81 = tpu.memref_slice %arg5[%dma_start3A_80] : memref<13312xi32, #tpu.memory_space<vmem>> -> memref<512xi32, #tpu.memory_space<vmem>>
    %dma_start3A_82 = tpu.memref_slice %arg2[%dma_start3A_79, %mul3A_78] : memref<26x16384xi32, #tpu.memory_space<hbm>> -> memref<1x512xi32, #tpu.memory_space<hbm>>
    %dma_start3A_83 = tpu.memref_squeeze %dma_start3A_82 : memref<1x512xi32, #tpu.memory_space<hbm>> -> memref<512xi32, #tpu.memory_space<hbm>>
    %dma_start3A_84 = arith.constant 3584 : i32
    %dma_start3A_85 = tpu.memref_slice %arg5[%dma_start3A_84] : memref<13312xi32, #tpu.memory_space<vmem>> -> memref<512xi32, #tpu.memory_space<vmem>>
    %dma_start3A_86 = tpu.memref_slice %arg2[%dma_start3A_79, %mul3A_78] : memref<26x16384xi32, #tpu.memory_space<hbm>> -> memref<1x512xi32, #tpu.memory_space<hbm>>
    %dma_start3A_87 = tpu.memref_squeeze %dma_start3A_86 : memref<1x512xi32, #tpu.memory_space<hbm>> -> memref<512xi32, #tpu.memory_space<hbm>>
    tpu.enqueue_dma source(%dma_start3A_87 : memref<512xi32, #tpu.memory_space<hbm>>) target(%dma_start3A_85 : memref<512xi32, #tpu.memory_space<vmem>>) target_semaphore(%arg9 : memref<!tpu.dma_semaphore, #tpu.memory_space<semaphore_mem>>)
    %mul3A_88 = arith.constant 512 : i32
    %mul3A_89 = arith.muli %add3A, %mul3A_88 : i32
    %dma_start3A_90 = arith.constant 8 : i32
    %dma_start3A_91 = arith.constant 4096 : i32
    %dma_start3A_92 = tpu.memref_slice %arg5[%dma_start3A_91] : memref<13312xi32, #tpu.memory_space<vmem>> -> memref<512xi32, #tpu.memory_space<vmem>>
    %dma_start3A_93 = tpu.memref_slice %arg2[%dma_start3A_90, %mul3A_89] : memref<26x16384xi32, #tpu.memory_space<hbm>> -> memref<1x512xi32, #tpu.memory_space<hbm>>
    %dma_start3A_94 = tpu.memref_squeeze %dma_start3A_93 : memref<1x512xi32, #tpu.memory_space<hbm>> -> memref<512xi32, #tpu.memory_space<hbm>>
    %dma_start3A_95 = arith.constant 4096 : i32
    %dma_start3A_96 = tpu.memref_slice %arg5[%dma_start3A_95] : memref<13312xi32, #tpu.memory_space<vmem>> -> memref<512xi32, #tpu.memory_space<vmem>>
    %dma_start3A_97 = tpu.memref_slice %arg2[%dma_start3A_90, %mul3A_89] : memref<26x16384xi32, #tpu.memory_space<hbm>> -> memref<1x512xi32, #tpu.memory_space<hbm>>
    %dma_start3A_98 = tpu.memref_squeeze %dma_start3A_97 : memref<1x512xi32, #tpu.memory_space<hbm>> -> memref<512xi32, #tpu.memory_space<hbm>>
    tpu.enqueue_dma source(%dma_start3A_98 : memref<512xi32, #tpu.memory_space<hbm>>) target(%dma_start3A_96 : memref<512xi32, #tpu.memory_space<vmem>>) target_semaphore(%arg9 : memref<!tpu.dma_semaphore, #tpu.memory_space<semaphore_mem>>)
    %mul3A_99 = arith.constant 512 : i32
    %mul3A_100 = arith.muli %add3A, %mul3A_99 : i32
    %dma_start3A_101 = arith.constant 9 : i32
    %dma_start3A_102 = arith.constant 4608 : i32
    %dma_start3A_103 = tpu.memref_slice %arg5[%dma_start3A_102] : memref<13312xi32, #tpu.memory_space<vmem>> -> memref<512xi32, #tpu.memory_space<vmem>>
    %dma_start3A_104 = tpu.memref_slice %arg2[%dma_start3A_101, %mul3A_100] : memref<26x16384xi32, #tpu.memory_space<hbm>> -> memref<1x512xi32, #tpu.memory_space<hbm>>
    %dma_start3A_105 = tpu.memref_squeeze %dma_start3A_104 : memref<1x512xi32, #tpu.memory_space<hbm>> -> memref<512xi32, #tpu.memory_space<hbm>>
    %dma_start3A_106 = arith.constant 4608 : i32
    %dma_start3A_107 = tpu.memref_slice %arg5[%dma_start3A_106] : memref<13312xi32, #tpu.memory_space<vmem>> -> memref<512xi32, #tpu.memory_space<vmem>>
    %dma_start3A_108 = tpu.memref_slice %arg2[%dma_start3A_101, %mul3A_100] : memref<26x16384xi32, #tpu.memory_space<hbm>> -> memref<1x512xi32, #tpu.memory_space<hbm>>
    %dma_start3A_109 = tpu.memref_squeeze %dma_start3A_108 : memref<1x512xi32, #tpu.memory_space<hbm>> -> memref<512xi32, #tpu.memory_space<hbm>>
    tpu.enqueue_dma source(%dma_start3A_109 : memref<512xi32, #tpu.memory_space<hbm>>) target(%dma_start3A_107 : memref<512xi32, #tpu.memory_space<vmem>>) target_semaphore(%arg9 : memref<!tpu.dma_semaphore, #tpu.memory_space<semaphore_mem>>)
    %mul3A_110 = arith.constant 512 : i32
    %mul3A_111 = arith.muli %add3A, %mul3A_110 : i32
    %dma_start3A_112 = arith.constant 10 : i32
    %dma_start3A_113 = arith.constant 5120 : i32
    %dma_start3A_114 = tpu.memref_slice %arg5[%dma_start3A_113] : memref<13312xi32, #tpu.memory_space<vmem>> -> memref<512xi32, #tpu.memory_space<vmem>>
    %dma_start3A_115 = tpu.memref_slice %arg2[%dma_start3A_112, %mul3A_111] : memref<26x16384xi32, #tpu.memory_space<hbm>> -> memref<1x512xi32, #tpu.memory_space<hbm>>
    %dma_start3A_116 = tpu.memref_squeeze %dma_start3A_115 : memref<1x512xi32, #tpu.memory_space<hbm>> -> memref<512xi32, #tpu.memory_space<hbm>>
    %dma_start3A_117 = arith.constant 5120 : i32
    %dma_start3A_118 = tpu.memref_slice %arg5[%dma_start3A_117] : memref<13312xi32, #tpu.memory_space<vmem>> -> memref<512xi32, #tpu.memory_space<vmem>>
    %dma_start3A_119 = tpu.memref_slice %arg2[%dma_start3A_112, %mul3A_111] : memref<26x16384xi32, #tpu.memory_space<hbm>> -> memref<1x512xi32, #tpu.memory_space<hbm>>
    %dma_start3A_120 = tpu.memref_squeeze %dma_start3A_119 : memref<1x512xi32, #tpu.memory_space<hbm>> -> memref<512xi32, #tpu.memory_space<hbm>>
    tpu.enqueue_dma source(%dma_start3A_120 : memref<512xi32, #tpu.memory_space<hbm>>) target(%dma_start3A_118 : memref<512xi32, #tpu.memory_space<vmem>>) target_semaphore(%arg9 : memref<!tpu.dma_semaphore, #tpu.memory_space<semaphore_mem>>)
    %mul3A_121 = arith.constant 512 : i32
    %mul3A_122 = arith.muli %add3A, %mul3A_121 : i32
    %dma_start3A_123 = arith.constant 11 : i32
    %dma_start3A_124 = arith.constant 5632 : i32
    %dma_start3A_125 = tpu.memref_slice %arg5[%dma_start3A_124] : memref<13312xi32, #tpu.memory_space<vmem>> -> memref<512xi32, #tpu.memory_space<vmem>>
    %dma_start3A_126 = tpu.memref_slice %arg2[%dma_start3A_123, %mul3A_122] : memref<26x16384xi32, #tpu.memory_space<hbm>> -> memref<1x512xi32, #tpu.memory_space<hbm>>
    %dma_start3A_127 = tpu.memref_squeeze %dma_start3A_126 : memref<1x512xi32, #tpu.memory_space<hbm>> -> memref<512xi32, #tpu.memory_space<hbm>>
    %dma_start3A_128 = arith.constant 5632 : i32
    %dma_start3A_129 = tpu.memref_slice %arg5[%dma_start3A_128] : memref<13312xi32, #tpu.memory_space<vmem>> -> memref<512xi32, #tpu.memory_space<vmem>>
    %dma_start3A_130 = tpu.memref_slice %arg2[%dma_start3A_123, %mul3A_122] : memref<26x16384xi32, #tpu.memory_space<hbm>> -> memref<1x512xi32, #tpu.memory_space<hbm>>
    %dma_start3A_131 = tpu.memref_squeeze %dma_start3A_130 : memref<1x512xi32, #tpu.memory_space<hbm>> -> memref<512xi32, #tpu.memory_space<hbm>>
    tpu.enqueue_dma source(%dma_start3A_131 : memref<512xi32, #tpu.memory_space<hbm>>) target(%dma_start3A_129 : memref<512xi32, #tpu.memory_space<vmem>>) target_semaphore(%arg9 : memref<!tpu.dma_semaphore, #tpu.memory_space<semaphore_mem>>)
    %mul3A_132 = arith.constant 512 : i32
    %mul3A_133 = arith.muli %add3A, %mul3A_132 : i32
    %dma_start3A_134 = arith.constant 12 : i32
    %dma_start3A_135 = arith.constant 6144 : i32
    %dma_start3A_136 = tpu.memref_slice %arg5[%dma_start3A_135] : memref<13312xi32, #tpu.memory_space<vmem>> -> memref<512xi32, #tpu.memory_space<vmem>>
    %dma_start3A_137 = tpu.memref_slice %arg2[%dma_start3A_134, %mul3A_133] : memref<26x16384xi32, #tpu.memory_space<hbm>> -> memref<1x512xi32, #tpu.memory_space<hbm>>
    %dma_start3A_138 = tpu.memref_squeeze %dma_start3A_137 : memref<1x512xi32, #tpu.memory_space<hbm>> -> memref<512xi32, #tpu.memory_space<hbm>>
    %dma_start3A_139 = arith.constant 6144 : i32
    %dma_start3A_140 = tpu.memref_slice %arg5[%dma_start3A_139] : memref<13312xi32, #tpu.memory_space<vmem>> -> memref<512xi32, #tpu.memory_space<vmem>>
    %dma_start3A_141 = tpu.memref_slice %arg2[%dma_start3A_134, %mul3A_133] : memref<26x16384xi32, #tpu.memory_space<hbm>> -> memref<1x512xi32, #tpu.memory_space<hbm>>
    %dma_start3A_142 = tpu.memref_squeeze %dma_start3A_141 : memref<1x512xi32, #tpu.memory_space<hbm>> -> memref<512xi32, #tpu.memory_space<hbm>>
    tpu.enqueue_dma source(%dma_start3A_142 : memref<512xi32, #tpu.memory_space<hbm>>) target(%dma_start3A_140 : memref<512xi32, #tpu.memory_space<vmem>>) target_semaphore(%arg9 : memref<!tpu.dma_semaphore, #tpu.memory_space<semaphore_mem>>)
    %mul3A_143 = arith.constant 512 : i32
    %mul3A_144 = arith.muli %add3A, %mul3A_143 : i32
    %dma_start3A_145 = arith.constant 13 : i32
    %dma_start3A_146 = arith.constant 6656 : i32
    %dma_start3A_147 = tpu.memref_slice %arg5[%dma_start3A_146] : memref<13312xi32, #tpu.memory_space<vmem>> -> memref<512xi32, #tpu.memory_space<vmem>>
    %dma_start3A_148 = tpu.memref_slice %arg2[%dma_start3A_145, %mul3A_144] : memref<26x16384xi32, #tpu.memory_space<hbm>> -> memref<1x512xi32, #tpu.memory_space<hbm>>
    %dma_start3A_149 = tpu.memref_squeeze %dma_start3A_148 : memref<1x512xi32, #tpu.memory_space<hbm>> -> memref<512xi32, #tpu.memory_space<hbm>>
    %dma_start3A_150 = arith.constant 6656 : i32
    %dma_start3A_151 = tpu.memref_slice %arg5[%dma_start3A_150] : memref<13312xi32, #tpu.memory_space<vmem>> -> memref<512xi32, #tpu.memory_space<vmem>>
    %dma_start3A_152 = tpu.memref_slice %arg2[%dma_start3A_145, %mul3A_144] : memref<26x16384xi32, #tpu.memory_space<hbm>> -> memref<1x512xi32, #tpu.memory_space<hbm>>
    %dma_start3A_153 = tpu.memref_squeeze %dma_start3A_152 : memref<1x512xi32, #tpu.memory_space<hbm>> -> memref<512xi32, #tpu.memory_space<hbm>>
    tpu.enqueue_dma source(%dma_start3A_153 : memref<512xi32, #tpu.memory_space<hbm>>) target(%dma_start3A_151 : memref<512xi32, #tpu.memory_space<vmem>>) target_semaphore(%arg9 : memref<!tpu.dma_semaphore, #tpu.memory_space<semaphore_mem>>)
    %mul3A_154 = arith.constant 512 : i32
    %mul3A_155 = arith.muli %add3A, %mul3A_154 : i32
    %dma_start3A_156 = arith.constant 14 : i32
    %dma_start3A_157 = arith.constant 7168 : i32
    %dma_start3A_158 = tpu.memref_slice %arg5[%dma_start3A_157] : memref<13312xi32, #tpu.memory_space<vmem>> -> memref<512xi32, #tpu.memory_space<vmem>>
    %dma_start3A_159 = tpu.memref_slice %arg2[%dma_start3A_156, %mul3A_155] : memref<26x16384xi32, #tpu.memory_space<hbm>> -> memref<1x512xi32, #tpu.memory_space<hbm>>
    %dma_start3A_160 = tpu.memref_squeeze %dma_start3A_159 : memref<1x512xi32, #tpu.memory_space<hbm>> -> memref<512xi32, #tpu.memory_space<hbm>>
    %dma_start3A_161 = arith.constant 7168 : i32
    %dma_start3A_162 = tpu.memref_slice %arg5[%dma_start3A_161] : memref<13312xi32, #tpu.memory_space<vmem>> -> memref<512xi32, #tpu.memory_space<vmem>>
    %dma_start3A_163 = tpu.memref_slice %arg2[%dma_start3A_156, %mul3A_155] : memref<26x16384xi32, #tpu.memory_space<hbm>> -> memref<1x512xi32, #tpu.memory_space<hbm>>
    %dma_start3A_164 = tpu.memref_squeeze %dma_start3A_163 : memref<1x512xi32, #tpu.memory_space<hbm>> -> memref<512xi32, #tpu.memory_space<hbm>>
    tpu.enqueue_dma source(%dma_start3A_164 : memref<512xi32, #tpu.memory_space<hbm>>) target(%dma_start3A_162 : memref<512xi32, #tpu.memory_space<vmem>>) target_semaphore(%arg9 : memref<!tpu.dma_semaphore, #tpu.memory_space<semaphore_mem>>)
    %mul3A_165 = arith.constant 512 : i32
    %mul3A_166 = arith.muli %add3A, %mul3A_165 : i32
    %dma_start3A_167 = arith.constant 15 : i32
    %dma_start3A_168 = arith.constant 7680 : i32
    %dma_start3A_169 = tpu.memref_slice %arg5[%dma_start3A_168] : memref<13312xi32, #tpu.memory_space<vmem>> -> memref<512xi32, #tpu.memory_space<vmem>>
    %dma_start3A_170 = tpu.memref_slice %arg2[%dma_start3A_167, %mul3A_166] : memref<26x16384xi32, #tpu.memory_space<hbm>> -> memref<1x512xi32, #tpu.memory_space<hbm>>
    %dma_start3A_171 = tpu.memref_squeeze %dma_start3A_170 : memref<1x512xi32, #tpu.memory_space<hbm>> -> memref<512xi32, #tpu.memory_space<hbm>>
    %dma_start3A_172 = arith.constant 7680 : i32
    %dma_start3A_173 = tpu.memref_slice %arg5[%dma_start3A_172] : memref<13312xi32, #tpu.memory_space<vmem>> -> memref<512xi32, #tpu.memory_space<vmem>>
    %dma_start3A_174 = tpu.memref_slice %arg2[%dma_start3A_167, %mul3A_166] : memref<26x16384xi32, #tpu.memory_space<hbm>> -> memref<1x512xi32, #tpu.memory_space<hbm>>
    %dma_start3A_175 = tpu.memref_squeeze %dma_start3A_174 : memref<1x512xi32, #tpu.memory_space<hbm>> -> memref<512xi32, #tpu.memory_space<hbm>>
    tpu.enqueue_dma source(%dma_start3A_175 : memref<512xi32, #tpu.memory_space<hbm>>) target(%dma_start3A_173 : memref<512xi32, #tpu.memory_space<vmem>>) target_semaphore(%arg9 : memref<!tpu.dma_semaphore, #tpu.memory_space<semaphore_mem>>)
    %mul3A_176 = arith.constant 512 : i32
    %mul3A_177 = arith.muli %add3A, %mul3A_176 : i32
    %dma_start3A_178 = arith.constant 16 : i32
    %dma_start3A_179 = arith.constant 8192 : i32
    %dma_start3A_180 = tpu.memref_slice %arg5[%dma_start3A_179] : memref<13312xi32, #tpu.memory_space<vmem>> -> memref<512xi32, #tpu.memory_space<vmem>>
    %dma_start3A_181 = tpu.memref_slice %arg2[%dma_start3A_178, %mul3A_177] : memref<26x16384xi32, #tpu.memory_space<hbm>> -> memref<1x512xi32, #tpu.memory_space<hbm>>
    %dma_start3A_182 = tpu.memref_squeeze %dma_start3A_181 : memref<1x512xi32, #tpu.memory_space<hbm>> -> memref<512xi32, #tpu.memory_space<hbm>>
    %dma_start3A_183 = arith.constant 8192 : i32
    %dma_start3A_184 = tpu.memref_slice %arg5[%dma_start3A_183] : memref<13312xi32, #tpu.memory_space<vmem>> -> memref<512xi32, #tpu.memory_space<vmem>>
    %dma_start3A_185 = tpu.memref_slice %arg2[%dma_start3A_178, %mul3A_177] : memref<26x16384xi32, #tpu.memory_space<hbm>> -> memref<1x512xi32, #tpu.memory_space<hbm>>
    %dma_start3A_186 = tpu.memref_squeeze %dma_start3A_185 : memref<1x512xi32, #tpu.memory_space<hbm>> -> memref<512xi32, #tpu.memory_space<hbm>>
    tpu.enqueue_dma source(%dma_start3A_186 : memref<512xi32, #tpu.memory_space<hbm>>) target(%dma_start3A_184 : memref<512xi32, #tpu.memory_space<vmem>>) target_semaphore(%arg9 : memref<!tpu.dma_semaphore, #tpu.memory_space<semaphore_mem>>)
    %mul3A_187 = arith.constant 512 : i32
    %mul3A_188 = arith.muli %add3A, %mul3A_187 : i32
    %dma_start3A_189 = arith.constant 17 : i32
    %dma_start3A_190 = arith.constant 8704 : i32
    %dma_start3A_191 = tpu.memref_slice %arg5[%dma_start3A_190] : memref<13312xi32, #tpu.memory_space<vmem>> -> memref<512xi32, #tpu.memory_space<vmem>>
    %dma_start3A_192 = tpu.memref_slice %arg2[%dma_start3A_189, %mul3A_188] : memref<26x16384xi32, #tpu.memory_space<hbm>> -> memref<1x512xi32, #tpu.memory_space<hbm>>
    %dma_start3A_193 = tpu.memref_squeeze %dma_start3A_192 : memref<1x512xi32, #tpu.memory_space<hbm>> -> memref<512xi32, #tpu.memory_space<hbm>>
    %dma_start3A_194 = arith.constant 8704 : i32
    %dma_start3A_195 = tpu.memref_slice %arg5[%dma_start3A_194] : memref<13312xi32, #tpu.memory_space<vmem>> -> memref<512xi32, #tpu.memory_space<vmem>>
    %dma_start3A_196 = tpu.memref_slice %arg2[%dma_start3A_189, %mul3A_188] : memref<26x16384xi32, #tpu.memory_space<hbm>> -> memref<1x512xi32, #tpu.memory_space<hbm>>
    %dma_start3A_197 = tpu.memref_squeeze %dma_start3A_196 : memref<1x512xi32, #tpu.memory_space<hbm>> -> memref<512xi32, #tpu.memory_space<hbm>>
    tpu.enqueue_dma source(%dma_start3A_197 : memref<512xi32, #tpu.memory_space<hbm>>) target(%dma_start3A_195 : memref<512xi32, #tpu.memory_space<vmem>>) target_semaphore(%arg9 : memref<!tpu.dma_semaphore, #tpu.memory_space<semaphore_mem>>)
    %mul3A_198 = arith.constant 512 : i32
    %mul3A_199 = arith.muli %add3A, %mul3A_198 : i32
    %dma_start3A_200 = arith.constant 18 : i32
    %dma_start3A_201 = arith.constant 9216 : i32
    %dma_start3A_202 = tpu.memref_slice %arg5[%dma_start3A_201] : memref<13312xi32, #tpu.memory_space<vmem>> -> memref<512xi32, #tpu.memory_space<vmem>>
    %dma_start3A_203 = tpu.memref_slice %arg2[%dma_start3A_200, %mul3A_199] : memref<26x16384xi32, #tpu.memory_space<hbm>> -> memref<1x512xi32, #tpu.memory_space<hbm>>
    %dma_start3A_204 = tpu.memref_squeeze %dma_start3A_203 : memref<1x512xi32, #tpu.memory_space<hbm>> -> memref<512xi32, #tpu.memory_space<hbm>>
    %dma_start3A_205 = arith.constant 9216 : i32
    %dma_start3A_206 = tpu.memref_slice %arg5[%dma_start3A_205] : memref<13312xi32, #tpu.memory_space<vmem>> -> memref<512xi32, #tpu.memory_space<vmem>>
    %dma_start3A_207 = tpu.memref_slice %arg2[%dma_start3A_200, %mul3A_199] : memref<26x16384xi32, #tpu.memory_space<hbm>> -> memref<1x512xi32, #tpu.memory_space<hbm>>
    %dma_start3A_208 = tpu.memref_squeeze %dma_start3A_207 : memref<1x512xi32, #tpu.memory_space<hbm>> -> memref<512xi32, #tpu.memory_space<hbm>>
    tpu.enqueue_dma source(%dma_start3A_208 : memref<512xi32, #tpu.memory_space<hbm>>) target(%dma_start3A_206 : memref<512xi32, #tpu.memory_space<vmem>>) target_semaphore(%arg9 : memref<!tpu.dma_semaphore, #tpu.memory_space<semaphore_mem>>)
    %mul3A_209 = arith.constant 512 : i32
    %mul3A_210 = arith.muli %add3A, %mul3A_209 : i32
    %dma_start3A_211 = arith.constant 19 : i32
    %dma_start3A_212 = arith.constant 9728 : i32
    %dma_start3A_213 = tpu.memref_slice %arg5[%dma_start3A_212] : memref<13312xi32, #tpu.memory_space<vmem>> -> memref<512xi32, #tpu.memory_space<vmem>>
    %dma_start3A_214 = tpu.memref_slice %arg2[%dma_start3A_211, %mul3A_210] : memref<26x16384xi32, #tpu.memory_space<hbm>> -> memref<1x512xi32, #tpu.memory_space<hbm>>
    %dma_start3A_215 = tpu.memref_squeeze %dma_start3A_214 : memref<1x512xi32, #tpu.memory_space<hbm>> -> memref<512xi32, #tpu.memory_space<hbm>>
    %dma_start3A_216 = arith.constant 9728 : i32
    %dma_start3A_217 = tpu.memref_slice %arg5[%dma_start3A_216] : memref<13312xi32, #tpu.memory_space<vmem>> -> memref<512xi32, #tpu.memory_space<vmem>>
    %dma_start3A_218 = tpu.memref_slice %arg2[%dma_start3A_211, %mul3A_210] : memref<26x16384xi32, #tpu.memory_space<hbm>> -> memref<1x512xi32, #tpu.memory_space<hbm>>
    %dma_start3A_219 = tpu.memref_squeeze %dma_start3A_218 : memref<1x512xi32, #tpu.memory_space<hbm>> -> memref<512xi32, #tpu.memory_space<hbm>>
    tpu.enqueue_dma source(%dma_start3A_219 : memref<512xi32, #tpu.memory_space<hbm>>) target(%dma_start3A_217 : memref<512xi32, #tpu.memory_space<vmem>>) target_semaphore(%arg9 : memref<!tpu.dma_semaphore, #tpu.memory_space<semaphore_mem>>)
    %mul3A_220 = arith.constant 512 : i32
    %mul3A_221 = arith.muli %add3A, %mul3A_220 : i32
    %dma_start3A_222 = arith.constant 20 : i32
    %dma_start3A_223 = arith.constant 10240 : i32
    %dma_start3A_224 = tpu.memref_slice %arg5[%dma_start3A_223] : memref<13312xi32, #tpu.memory_space<vmem>> -> memref<512xi32, #tpu.memory_space<vmem>>
    %dma_start3A_225 = tpu.memref_slice %arg2[%dma_start3A_222, %mul3A_221] : memref<26x16384xi32, #tpu.memory_space<hbm>> -> memref<1x512xi32, #tpu.memory_space<hbm>>
    %dma_start3A_226 = tpu.memref_squeeze %dma_start3A_225 : memref<1x512xi32, #tpu.memory_space<hbm>> -> memref<512xi32, #tpu.memory_space<hbm>>
    %dma_start3A_227 = arith.constant 10240 : i32
    %dma_start3A_228 = tpu.memref_slice %arg5[%dma_start3A_227] : memref<13312xi32, #tpu.memory_space<vmem>> -> memref<512xi32, #tpu.memory_space<vmem>>
    %dma_start3A_229 = tpu.memref_slice %arg2[%dma_start3A_222, %mul3A_221] : memref<26x16384xi32, #tpu.memory_space<hbm>> -> memref<1x512xi32, #tpu.memory_space<hbm>>
    %dma_start3A_230 = tpu.memref_squeeze %dma_start3A_229 : memref<1x512xi32, #tpu.memory_space<hbm>> -> memref<512xi32, #tpu.memory_space<hbm>>
    tpu.enqueue_dma source(%dma_start3A_230 : memref<512xi32, #tpu.memory_space<hbm>>) target(%dma_start3A_228 : memref<512xi32, #tpu.memory_space<vmem>>) target_semaphore(%arg9 : memref<!tpu.dma_semaphore, #tpu.memory_space<semaphore_mem>>)
    %mul3A_231 = arith.constant 512 : i32
    %mul3A_232 = arith.muli %add3A, %mul3A_231 : i32
    %dma_start3A_233 = arith.constant 21 : i32
    %dma_start3A_234 = arith.constant 10752 : i32
    %dma_start3A_235 = tpu.memref_slice %arg5[%dma_start3A_234] : memref<13312xi32, #tpu.memory_space<vmem>> -> memref<512xi32, #tpu.memory_space<vmem>>
    %dma_start3A_236 = tpu.memref_slice %arg2[%dma_start3A_233, %mul3A_232] : memref<26x16384xi32, #tpu.memory_space<hbm>> -> memref<1x512xi32, #tpu.memory_space<hbm>>
    %dma_start3A_237 = tpu.memref_squeeze %dma_start3A_236 : memref<1x512xi32, #tpu.memory_space<hbm>> -> memref<512xi32, #tpu.memory_space<hbm>>
    %dma_start3A_238 = arith.constant 10752 : i32
    %dma_start3A_239 = tpu.memref_slice %arg5[%dma_start3A_238] : memref<13312xi32, #tpu.memory_space<vmem>> -> memref<512xi32, #tpu.memory_space<vmem>>
    %dma_start3A_240 = tpu.memref_slice %arg2[%dma_start3A_233, %mul3A_232] : memref<26x16384xi32, #tpu.memory_space<hbm>> -> memref<1x512xi32, #tpu.memory_space<hbm>>
    %dma_start3A_241 = tpu.memref_squeeze %dma_start3A_240 : memref<1x512xi32, #tpu.memory_space<hbm>> -> memref<512xi32, #tpu.memory_space<hbm>>
    tpu.enqueue_dma source(%dma_start3A_241 : memref<512xi32, #tpu.memory_space<hbm>>) target(%dma_start3A_239 : memref<512xi32, #tpu.memory_space<vmem>>) target_semaphore(%arg9 : memref<!tpu.dma_semaphore, #tpu.memory_space<semaphore_mem>>)
    %mul3A_242 = arith.constant 512 : i32
    %mul3A_243 = arith.muli %add3A, %mul3A_242 : i32
    %dma_start3A_244 = arith.constant 22 : i32
    %dma_start3A_245 = arith.constant 11264 : i32
    %dma_start3A_246 = tpu.memref_slice %arg5[%dma_start3A_245] : memref<13312xi32, #tpu.memory_space<vmem>> -> memref<512xi32, #tpu.memory_space<vmem>>
    %dma_start3A_247 = tpu.memref_slice %arg2[%dma_start3A_244, %mul3A_243] : memref<26x16384xi32, #tpu.memory_space<hbm>> -> memref<1x512xi32, #tpu.memory_space<hbm>>
    %dma_start3A_248 = tpu.memref_squeeze %dma_start3A_247 : memref<1x512xi32, #tpu.memory_space<hbm>> -> memref<512xi32, #tpu.memory_space<hbm>>
    %dma_start3A_249 = arith.constant 11264 : i32
    %dma_start3A_250 = tpu.memref_slice %arg5[%dma_start3A_249] : memref<13312xi32, #tpu.memory_space<vmem>> -> memref<512xi32, #tpu.memory_space<vmem>>
    %dma_start3A_251 = tpu.memref_slice %arg2[%dma_start3A_244, %mul3A_243] : memref<26x16384xi32, #tpu.memory_space<hbm>> -> memref<1x512xi32, #tpu.memory_space<hbm>>
    %dma_start3A_252 = tpu.memref_squeeze %dma_start3A_251 : memref<1x512xi32, #tpu.memory_space<hbm>> -> memref<512xi32, #tpu.memory_space<hbm>>
    tpu.enqueue_dma source(%dma_start3A_252 : memref<512xi32, #tpu.memory_space<hbm>>) target(%dma_start3A_250 : memref<512xi32, #tpu.memory_space<vmem>>) target_semaphore(%arg9 : memref<!tpu.dma_semaphore, #tpu.memory_space<semaphore_mem>>)
    %mul3A_253 = arith.constant 512 : i32
    %mul3A_254 = arith.muli %add3A, %mul3A_253 : i32
    %dma_start3A_255 = arith.constant 23 : i32
    %dma_start3A_256 = arith.constant 11776 : i32
    %dma_start3A_257 = tpu.memref_slice %arg5[%dma_start3A_256] : memref<13312xi32, #tpu.memory_space<vmem>> -> memref<512xi32, #tpu.memory_space<vmem>>
    %dma_start3A_258 = tpu.memref_slice %arg2[%dma_start3A_255, %mul3A_254] : memref<26x16384xi32, #tpu.memory_space<hbm>> -> memref<1x512xi32, #tpu.memory_space<hbm>>
    %dma_start3A_259 = tpu.memref_squeeze %dma_start3A_258 : memref<1x512xi32, #tpu.memory_space<hbm>> -> memref<512xi32, #tpu.memory_space<hbm>>
    %dma_start3A_260 = arith.constant 11776 : i32
    %dma_start3A_261 = tpu.memref_slice %arg5[%dma_start3A_260] : memref<13312xi32, #tpu.memory_space<vmem>> -> memref<512xi32, #tpu.memory_space<vmem>>
    %dma_start3A_262 = tpu.memref_slice %arg2[%dma_start3A_255, %mul3A_254] : memref<26x16384xi32, #tpu.memory_space<hbm>> -> memref<1x512xi32, #tpu.memory_space<hbm>>
    %dma_start3A_263 = tpu.memref_squeeze %dma_start3A_262 : memref<1x512xi32, #tpu.memory_space<hbm>> -> memref<512xi32, #tpu.memory_space<hbm>>
    tpu.enqueue_dma source(%dma_start3A_263 : memref<512xi32, #tpu.memory_space<hbm>>) target(%dma_start3A_261 : memref<512xi32, #tpu.memory_space<vmem>>) target_semaphore(%arg9 : memref<!tpu.dma_semaphore, #tpu.memory_space<semaphore_mem>>)
    %mul3A_264 = arith.constant 512 : i32
    %mul3A_265 = arith.muli %add3A, %mul3A_264 : i32
    %dma_start3A_266 = arith.constant 24 : i32
    %dma_start3A_267 = arith.constant 12288 : i32
    %dma_start3A_268 = tpu.memref_slice %arg5[%dma_start3A_267] : memref<13312xi32, #tpu.memory_space<vmem>> -> memref<512xi32, #tpu.memory_space<vmem>>
    %dma_start3A_269 = tpu.memref_slice %arg2[%dma_start3A_266, %mul3A_265] : memref<26x16384xi32, #tpu.memory_space<hbm>> -> memref<1x512xi32, #tpu.memory_space<hbm>>
    %dma_start3A_270 = tpu.memref_squeeze %dma_start3A_269 : memref<1x512xi32, #tpu.memory_space<hbm>> -> memref<512xi32, #tpu.memory_space<hbm>>
    %dma_start3A_271 = arith.constant 12288 : i32
    %dma_start3A_272 = tpu.memref_slice %arg5[%dma_start3A_271] : memref<13312xi32, #tpu.memory_space<vmem>> -> memref<512xi32, #tpu.memory_space<vmem>>
    %dma_start3A_273 = tpu.memref_slice %arg2[%dma_start3A_266, %mul3A_265] : memref<26x16384xi32, #tpu.memory_space<hbm>> -> memref<1x512xi32, #tpu.memory_space<hbm>>
    %dma_start3A_274 = tpu.memref_squeeze %dma_start3A_273 : memref<1x512xi32, #tpu.memory_space<hbm>> -> memref<512xi32, #tpu.memory_space<hbm>>
    tpu.enqueue_dma source(%dma_start3A_274 : memref<512xi32, #tpu.memory_space<hbm>>) target(%dma_start3A_272 : memref<512xi32, #tpu.memory_space<vmem>>) target_semaphore(%arg9 : memref<!tpu.dma_semaphore, #tpu.memory_space<semaphore_mem>>)
    %mul3A_275 = arith.constant 512 : i32
    %mul3A_276 = arith.muli %add3A, %mul3A_275 : i32
    %dma_start3A_277 = arith.constant 25 : i32
    %dma_start3A_278 = arith.constant 12800 : i32
    %dma_start3A_279 = tpu.memref_slice %arg5[%dma_start3A_278] : memref<13312xi32, #tpu.memory_space<vmem>> -> memref<512xi32, #tpu.memory_space<vmem>>
    %dma_start3A_280 = tpu.memref_slice %arg2[%dma_start3A_277, %mul3A_276] : memref<26x16384xi32, #tpu.memory_space<hbm>> -> memref<1x512xi32, #tpu.memory_space<hbm>>
    %dma_start3A_281 = tpu.memref_squeeze %dma_start3A_280 : memref<1x512xi32, #tpu.memory_space<hbm>> -> memref<512xi32, #tpu.memory_space<hbm>>
    %dma_start3A_282 = arith.constant 12800 : i32
    %dma_start3A_283 = tpu.memref_slice %arg5[%dma_start3A_282] : memref<13312xi32, #tpu.memory_space<vmem>> -> memref<512xi32, #tpu.memory_space<vmem>>
    %dma_start3A_284 = tpu.memref_slice %arg2[%dma_start3A_277, %mul3A_276] : memref<26x16384xi32, #tpu.memory_space<hbm>> -> memref<1x512xi32, #tpu.memory_space<hbm>>
    %dma_start3A_285 = tpu.memref_squeeze %dma_start3A_284 : memref<1x512xi32, #tpu.memory_space<hbm>> -> memref<512xi32, #tpu.memory_space<hbm>>
    tpu.enqueue_dma source(%dma_start3A_285 : memref<512xi32, #tpu.memory_space<hbm>>) target(%dma_start3A_283 : memref<512xi32, #tpu.memory_space<vmem>>) target_semaphore(%arg9 : memref<!tpu.dma_semaphore, #tpu.memory_space<semaphore_mem>>)
    %dma_start3A_286 = arith.constant 1000000 : i32
    %dma_start3A_287 = tpu.memref_slice %arg3[%dma_start3A_286] : memref<1000448xf32, #tpu.memory_space<hbm>> -> memref<16xf32, #tpu.memory_space<hbm>>
    %dma_start3A_288 = arith.constant 1000000 : i32
    %dma_start3A_289 = tpu.memref_slice %arg3[%dma_start3A_288] : memref<1000448xf32, #tpu.memory_space<hbm>> -> memref<16xf32, #tpu.memory_space<hbm>>
    tpu.enqueue_dma source(%dma_start3A_289 : memref<16xf32, #tpu.memory_space<hbm>>) target(%arg7 : memref<16xf32, #tpu.memory_space<vmem>>) target_semaphore(%arg9 : memref<!tpu.dma_semaphore, #tpu.memory_space<semaphore_mem>>)
    %dma_wait3A = arith.constant 0 : i32
    %dma_wait3A_290 = arith.constant 0 : i32
    %dma_wait3A_291 = tpu.memref_slice %arg5[%dma_wait3A_290] : memref<13312xi32, #tpu.memory_space<vmem>> -> memref<512xi32, #tpu.memory_space<vmem>>
    %dma_wait3A_292 = tpu.memref_slice %arg2[%dma_wait3A, %mul3A_2] : memref<26x16384xi32, #tpu.memory_space<hbm>> -> memref<1x512xi32, #tpu.memory_space<hbm>>
    %dma_wait3A_293 = tpu.memref_squeeze %dma_wait3A_292 : memref<1x512xi32, #tpu.memory_space<hbm>> -> memref<512xi32, #tpu.memory_space<hbm>>
    %dma_wait3A_294 = arith.constant 0 : i32
    %dma_wait3A_295 = tpu.memref_slice %arg5[%dma_wait3A_294] : memref<13312xi32, #tpu.memory_space<vmem>> -> memref<512xi32, #tpu.memory_space<vmem>>
    %dma_wait3A_296 = tpu.memref_slice %arg2[%dma_wait3A, %mul3A_2] : memref<26x16384xi32, #tpu.memory_space<hbm>> -> memref<1x512xi32, #tpu.memory_space<hbm>>
    %dma_wait3A_297 = tpu.memref_squeeze %dma_wait3A_296 : memref<1x512xi32, #tpu.memory_space<hbm>> -> memref<512xi32, #tpu.memory_space<hbm>>
    tpu.wait_dma2 semaphore(%arg9 : memref<!tpu.dma_semaphore, #tpu.memory_space<semaphore_mem>>) src(%dma_wait3A_297 : memref<512xi32, #tpu.memory_space<hbm>>) dst(%dma_wait3A_295 : memref<512xi32, #tpu.memory_space<vmem>>)
    %dma_wait3A_298 = arith.constant 1 : i32
    %dma_wait3A_299 = arith.constant 512 : i32
    %dma_wait3A_300 = tpu.memref_slice %arg5[%dma_wait3A_299] : memref<13312xi32, #tpu.memory_space<vmem>> -> memref<512xi32, #tpu.memory_space<vmem>>
    %dma_wait3A_301 = tpu.memref_slice %arg2[%dma_wait3A_298, %mul3A_12] : memref<26x16384xi32, #tpu.memory_space<hbm>> -> memref<1x512xi32, #tpu.memory_space<hbm>>
    %dma_wait3A_302 = tpu.memref_squeeze %dma_wait3A_301 : memref<1x512xi32, #tpu.memory_space<hbm>> -> memref<512xi32, #tpu.memory_space<hbm>>
    %dma_wait3A_303 = arith.constant 512 : i32
    %dma_wait3A_304 = tpu.memref_slice %arg5[%dma_wait3A_303] : memref<13312xi32, #tpu.memory_space<vmem>> -> memref<512xi32, #tpu.memory_space<vmem>>
    %dma_wait3A_305 = tpu.memref_slice %arg2[%dma_wait3A_298, %mul3A_12] : memref<26x16384xi32, #tpu.memory_space<hbm>> -> memref<1x512xi32, #tpu.memory_space<hbm>>
    %dma_wait3A_306 = tpu.memref_squeeze %dma_wait3A_305 : memref<1x512xi32, #tpu.memory_space<hbm>> -> memref<512xi32, #tpu.memory_space<hbm>>
    tpu.wait_dma2 semaphore(%arg9 : memref<!tpu.dma_semaphore, #tpu.memory_space<semaphore_mem>>) src(%dma_wait3A_306 : memref<512xi32, #tpu.memory_space<hbm>>) dst(%dma_wait3A_304 : memref<512xi32, #tpu.memory_space<vmem>>)
    %dma_wait3A_307 = arith.constant 2 : i32
    %dma_wait3A_308 = arith.constant 1024 : i32
    %dma_wait3A_309 = tpu.memref_slice %arg5[%dma_wait3A_308] : memref<13312xi32, #tpu.memory_space<vmem>> -> memref<512xi32, #tpu.memory_space<vmem>>
    %dma_wait3A_310 = tpu.memref_slice %arg2[%dma_wait3A_307, %mul3A_23] : memref<26x16384xi32, #tpu.memory_space<hbm>> -> memref<1x512xi32, #tpu.memory_space<hbm>>
    %dma_wait3A_311 = tpu.memref_squeeze %dma_wait3A_310 : memref<1x512xi32, #tpu.memory_space<hbm>> -> memref<512xi32, #tpu.memory_space<hbm>>
    %dma_wait3A_312 = arith.constant 1024 : i32
    %dma_wait3A_313 = tpu.memref_slice %arg5[%dma_wait3A_312] : memref<13312xi32, #tpu.memory_space<vmem>> -> memref<512xi32, #tpu.memory_space<vmem>>
    %dma_wait3A_314 = tpu.memref_slice %arg2[%dma_wait3A_307, %mul3A_23] : memref<26x16384xi32, #tpu.memory_space<hbm>> -> memref<1x512xi32, #tpu.memory_space<hbm>>
    %dma_wait3A_315 = tpu.memref_squeeze %dma_wait3A_314 : memref<1x512xi32, #tpu.memory_space<hbm>> -> memref<512xi32, #tpu.memory_space<hbm>>
    tpu.wait_dma2 semaphore(%arg9 : memref<!tpu.dma_semaphore, #tpu.memory_space<semaphore_mem>>) src(%dma_wait3A_315 : memref<512xi32, #tpu.memory_space<hbm>>) dst(%dma_wait3A_313 : memref<512xi32, #tpu.memory_space<vmem>>)
    %dma_start3A_316 = arith.constant 0 : i32
    %dma_start3A_317 = tpu.memref_slice %arg6[%dma_start3A_316] : memref<13312xf32, #tpu.memory_space<vmem>> -> memref<1536xf32, #tpu.memory_space<vmem>>
    %dma_start3A_318 = arith.constant 0 : i32
    %dma_start3A_319 = tpu.memref_slice %arg5[%dma_start3A_318] : memref<13312xi32, #tpu.memory_space<vmem>> -> memref<1536xi32, #tpu.memory_space<vmem>>
    %dma_start3A_320 = arith.constant 0 : i32
    %dma_start3A_321 = tpu.memref_slice %arg3[%dma_start3A_320] : memref<1000448xf32, #tpu.memory_space<hbm>> -> memref<1000448xf32, #tpu.memory_space<hbm>>
    tpu.enqueue_indirect_dma source(%dma_start3A_321 : memref<1000448xf32, #tpu.memory_space<hbm>>) target(%dma_start3A_317 : memref<1536xf32, #tpu.memory_space<vmem>>) offsets(%dma_start3A_319 : memref<1536xi32, #tpu.memory_space<vmem>>) semaphore(%arg10 : memref<!tpu.dma_semaphore, #tpu.memory_space<semaphore_mem>>)
    %dma_wait3A_322 = arith.constant 3 : i32
    %dma_wait3A_323 = arith.constant 1536 : i32
    %dma_wait3A_324 = tpu.memref_slice %arg5[%dma_wait3A_323] : memref<13312xi32, #tpu.memory_space<vmem>> -> memref<512xi32, #tpu.memory_space<vmem>>
    %dma_wait3A_325 = tpu.memref_slice %arg2[%dma_wait3A_322, %mul3A_34] : memref<26x16384xi32, #tpu.memory_space<hbm>> -> memref<1x512xi32, #tpu.memory_space<hbm>>
    %dma_wait3A_326 = tpu.memref_squeeze %dma_wait3A_325 : memref<1x512xi32, #tpu.memory_space<hbm>> -> memref<512xi32, #tpu.memory_space<hbm>>
    %dma_wait3A_327 = arith.constant 1536 : i32
    %dma_wait3A_328 = tpu.memref_slice %arg5[%dma_wait3A_327] : memref<13312xi32, #tpu.memory_space<vmem>> -> memref<512xi32, #tpu.memory_space<vmem>>
    %dma_wait3A_329 = tpu.memref_slice %arg2[%dma_wait3A_322, %mul3A_34] : memref<26x16384xi32, #tpu.memory_space<hbm>> -> memref<1x512xi32, #tpu.memory_space<hbm>>
    %dma_wait3A_330 = tpu.memref_squeeze %dma_wait3A_329 : memref<1x512xi32, #tpu.memory_space<hbm>> -> memref<512xi32, #tpu.memory_space<hbm>>
    tpu.wait_dma2 semaphore(%arg9 : memref<!tpu.dma_semaphore, #tpu.memory_space<semaphore_mem>>) src(%dma_wait3A_330 : memref<512xi32, #tpu.memory_space<hbm>>) dst(%dma_wait3A_328 : memref<512xi32, #tpu.memory_space<vmem>>)
    %dma_wait3A_331 = arith.constant 4 : i32
    %dma_wait3A_332 = arith.constant 2048 : i32
    %dma_wait3A_333 = tpu.memref_slice %arg5[%dma_wait3A_332] : memref<13312xi32, #tpu.memory_space<vmem>> -> memref<512xi32, #tpu.memory_space<vmem>>
    %dma_wait3A_334 = tpu.memref_slice %arg2[%dma_wait3A_331, %mul3A_45] : memref<26x16384xi32, #tpu.memory_space<hbm>> -> memref<1x512xi32, #tpu.memory_space<hbm>>
    %dma_wait3A_335 = tpu.memref_squeeze %dma_wait3A_334 : memref<1x512xi32, #tpu.memory_space<hbm>> -> memref<512xi32, #tpu.memory_space<hbm>>
    %dma_wait3A_336 = arith.constant 2048 : i32
    %dma_wait3A_337 = tpu.memref_slice %arg5[%dma_wait3A_336] : memref<13312xi32, #tpu.memory_space<vmem>> -> memref<512xi32, #tpu.memory_space<vmem>>
    %dma_wait3A_338 = tpu.memref_slice %arg2[%dma_wait3A_331, %mul3A_45] : memref<26x16384xi32, #tpu.memory_space<hbm>> -> memref<1x512xi32, #tpu.memory_space<hbm>>
    %dma_wait3A_339 = tpu.memref_squeeze %dma_wait3A_338 : memref<1x512xi32, #tpu.memory_space<hbm>> -> memref<512xi32, #tpu.memory_space<hbm>>
    tpu.wait_dma2 semaphore(%arg9 : memref<!tpu.dma_semaphore, #tpu.memory_space<semaphore_mem>>) src(%dma_wait3A_339 : memref<512xi32, #tpu.memory_space<hbm>>) dst(%dma_wait3A_337 : memref<512xi32, #tpu.memory_space<vmem>>)
    %dma_wait3A_340 = arith.constant 5 : i32
    %dma_wait3A_341 = arith.constant 2560 : i32
    %dma_wait3A_342 = tpu.memref_slice %arg5[%dma_wait3A_341] : memref<13312xi32, #tpu.memory_space<vmem>> -> memref<512xi32, #tpu.memory_space<vmem>>
    %dma_wait3A_343 = tpu.memref_slice %arg2[%dma_wait3A_340, %mul3A_56] : memref<26x16384xi32, #tpu.memory_space<hbm>> -> memref<1x512xi32, #tpu.memory_space<hbm>>
    %dma_wait3A_344 = tpu.memref_squeeze %dma_wait3A_343 : memref<1x512xi32, #tpu.memory_space<hbm>> -> memref<512xi32, #tpu.memory_space<hbm>>
    %dma_wait3A_345 = arith.constant 2560 : i32
    %dma_wait3A_346 = tpu.memref_slice %arg5[%dma_wait3A_345] : memref<13312xi32, #tpu.memory_space<vmem>> -> memref<512xi32, #tpu.memory_space<vmem>>
    %dma_wait3A_347 = tpu.memref_slice %arg2[%dma_wait3A_340, %mul3A_56] : memref<26x16384xi32, #tpu.memory_space<hbm>> -> memref<1x512xi32, #tpu.memory_space<hbm>>
    %dma_wait3A_348 = tpu.memref_squeeze %dma_wait3A_347 : memref<1x512xi32, #tpu.memory_space<hbm>> -> memref<512xi32, #tpu.memory_space<hbm>>
    tpu.wait_dma2 semaphore(%arg9 : memref<!tpu.dma_semaphore, #tpu.memory_space<semaphore_mem>>) src(%dma_wait3A_348 : memref<512xi32, #tpu.memory_space<hbm>>) dst(%dma_wait3A_346 : memref<512xi32, #tpu.memory_space<vmem>>)
    %dma_wait3A_349 = arith.constant 6 : i32
    %dma_wait3A_350 = arith.constant 3072 : i32
    %dma_wait3A_351 = tpu.memref_slice %arg5[%dma_wait3A_350] : memref<13312xi32, #tpu.memory_space<vmem>> -> memref<512xi32, #tpu.memory_space<vmem>>
    %dma_wait3A_352 = tpu.memref_slice %arg2[%dma_wait3A_349, %mul3A_67] : memref<26x16384xi32, #tpu.memory_space<hbm>> -> memref<1x512xi32, #tpu.memory_space<hbm>>
    %dma_wait3A_353 = tpu.memref_squeeze %dma_wait3A_352 : memref<1x512xi32, #tpu.memory_space<hbm>> -> memref<512xi32, #tpu.memory_space<hbm>>
    %dma_wait3A_354 = arith.constant 3072 : i32
    %dma_wait3A_355 = tpu.memref_slice %arg5[%dma_wait3A_354] : memref<13312xi32, #tpu.memory_space<vmem>> -> memref<512xi32, #tpu.memory_space<vmem>>
    %dma_wait3A_356 = tpu.memref_slice %arg2[%dma_wait3A_349, %mul3A_67] : memref<26x16384xi32, #tpu.memory_space<hbm>> -> memref<1x512xi32, #tpu.memory_space<hbm>>
    %dma_wait3A_357 = tpu.memref_squeeze %dma_wait3A_356 : memref<1x512xi32, #tpu.memory_space<hbm>> -> memref<512xi32, #tpu.memory_space<hbm>>
    tpu.wait_dma2 semaphore(%arg9 : memref<!tpu.dma_semaphore, #tpu.memory_space<semaphore_mem>>) src(%dma_wait3A_357 : memref<512xi32, #tpu.memory_space<hbm>>) dst(%dma_wait3A_355 : memref<512xi32, #tpu.memory_space<vmem>>)
    %dma_wait3A_358 = arith.constant 7 : i32
    %dma_wait3A_359 = arith.constant 3584 : i32
    %dma_wait3A_360 = tpu.memref_slice %arg5[%dma_wait3A_359] : memref<13312xi32, #tpu.memory_space<vmem>> -> memref<512xi32, #tpu.memory_space<vmem>>
    %dma_wait3A_361 = tpu.memref_slice %arg2[%dma_wait3A_358, %mul3A_78] : memref<26x16384xi32, #tpu.memory_space<hbm>> -> memref<1x512xi32, #tpu.memory_space<hbm>>
    %dma_wait3A_362 = tpu.memref_squeeze %dma_wait3A_361 : memref<1x512xi32, #tpu.memory_space<hbm>> -> memref<512xi32, #tpu.memory_space<hbm>>
    %dma_wait3A_363 = arith.constant 3584 : i32
    %dma_wait3A_364 = tpu.memref_slice %arg5[%dma_wait3A_363] : memref<13312xi32, #tpu.memory_space<vmem>> -> memref<512xi32, #tpu.memory_space<vmem>>
    %dma_wait3A_365 = tpu.memref_slice %arg2[%dma_wait3A_358, %mul3A_78] : memref<26x16384xi32, #tpu.memory_space<hbm>> -> memref<1x512xi32, #tpu.memory_space<hbm>>
    %dma_wait3A_366 = tpu.memref_squeeze %dma_wait3A_365 : memref<1x512xi32, #tpu.memory_space<hbm>> -> memref<512xi32, #tpu.memory_space<hbm>>
    tpu.wait_dma2 semaphore(%arg9 : memref<!tpu.dma_semaphore, #tpu.memory_space<semaphore_mem>>) src(%dma_wait3A_366 : memref<512xi32, #tpu.memory_space<hbm>>) dst(%dma_wait3A_364 : memref<512xi32, #tpu.memory_space<vmem>>)
    %dma_wait3A_367 = arith.constant 8 : i32
    %dma_wait3A_368 = arith.constant 4096 : i32
    %dma_wait3A_369 = tpu.memref_slice %arg5[%dma_wait3A_368] : memref<13312xi32, #tpu.memory_space<vmem>> -> memref<512xi32, #tpu.memory_space<vmem>>
    %dma_wait3A_370 = tpu.memref_slice %arg2[%dma_wait3A_367, %mul3A_89] : memref<26x16384xi32, #tpu.memory_space<hbm>> -> memref<1x512xi32, #tpu.memory_space<hbm>>
    %dma_wait3A_371 = tpu.memref_squeeze %dma_wait3A_370 : memref<1x512xi32, #tpu.memory_space<hbm>> -> memref<512xi32, #tpu.memory_space<hbm>>
    %dma_wait3A_372 = arith.constant 4096 : i32
    %dma_wait3A_373 = tpu.memref_slice %arg5[%dma_wait3A_372] : memref<13312xi32, #tpu.memory_space<vmem>> -> memref<512xi32, #tpu.memory_space<vmem>>
    %dma_wait3A_374 = tpu.memref_slice %arg2[%dma_wait3A_367, %mul3A_89] : memref<26x16384xi32, #tpu.memory_space<hbm>> -> memref<1x512xi32, #tpu.memory_space<hbm>>
    %dma_wait3A_375 = tpu.memref_squeeze %dma_wait3A_374 : memref<1x512xi32, #tpu.memory_space<hbm>> -> memref<512xi32, #tpu.memory_space<hbm>>
    tpu.wait_dma2 semaphore(%arg9 : memref<!tpu.dma_semaphore, #tpu.memory_space<semaphore_mem>>) src(%dma_wait3A_375 : memref<512xi32, #tpu.memory_space<hbm>>) dst(%dma_wait3A_373 : memref<512xi32, #tpu.memory_space<vmem>>)
    %dma_wait3A_376 = arith.constant 9 : i32
    %dma_wait3A_377 = arith.constant 4608 : i32
    %dma_wait3A_378 = tpu.memref_slice %arg5[%dma_wait3A_377] : memref<13312xi32, #tpu.memory_space<vmem>> -> memref<512xi32, #tpu.memory_space<vmem>>
    %dma_wait3A_379 = tpu.memref_slice %arg2[%dma_wait3A_376, %mul3A_100] : memref<26x16384xi32, #tpu.memory_space<hbm>> -> memref<1x512xi32, #tpu.memory_space<hbm>>
    %dma_wait3A_380 = tpu.memref_squeeze %dma_wait3A_379 : memref<1x512xi32, #tpu.memory_space<hbm>> -> memref<512xi32, #tpu.memory_space<hbm>>
    %dma_wait3A_381 = arith.constant 4608 : i32
    %dma_wait3A_382 = tpu.memref_slice %arg5[%dma_wait3A_381] : memref<13312xi32, #tpu.memory_space<vmem>> -> memref<512xi32, #tpu.memory_space<vmem>>
    %dma_wait3A_383 = tpu.memref_slice %arg2[%dma_wait3A_376, %mul3A_100] : memref<26x16384xi32, #tpu.memory_space<hbm>> -> memref<1x512xi32, #tpu.memory_space<hbm>>
    %dma_wait3A_384 = tpu.memref_squeeze %dma_wait3A_383 : memref<1x512xi32, #tpu.memory_space<hbm>> -> memref<512xi32, #tpu.memory_space<hbm>>
    tpu.wait_dma2 semaphore(%arg9 : memref<!tpu.dma_semaphore, #tpu.memory_space<semaphore_mem>>) src(%dma_wait3A_384 : memref<512xi32, #tpu.memory_space<hbm>>) dst(%dma_wait3A_382 : memref<512xi32, #tpu.memory_space<vmem>>)
    %dma_wait3A_385 = arith.constant 10 : i32
    %dma_wait3A_386 = arith.constant 5120 : i32
    %dma_wait3A_387 = tpu.memref_slice %arg5[%dma_wait3A_386] : memref<13312xi32, #tpu.memory_space<vmem>> -> memref<512xi32, #tpu.memory_space<vmem>>
    %dma_wait3A_388 = tpu.memref_slice %arg2[%dma_wait3A_385, %mul3A_111] : memref<26x16384xi32, #tpu.memory_space<hbm>> -> memref<1x512xi32, #tpu.memory_space<hbm>>
    %dma_wait3A_389 = tpu.memref_squeeze %dma_wait3A_388 : memref<1x512xi32, #tpu.memory_space<hbm>> -> memref<512xi32, #tpu.memory_space<hbm>>
    %dma_wait3A_390 = arith.constant 5120 : i32
    %dma_wait3A_391 = tpu.memref_slice %arg5[%dma_wait3A_390] : memref<13312xi32, #tpu.memory_space<vmem>> -> memref<512xi32, #tpu.memory_space<vmem>>
    %dma_wait3A_392 = tpu.memref_slice %arg2[%dma_wait3A_385, %mul3A_111] : memref<26x16384xi32, #tpu.memory_space<hbm>> -> memref<1x512xi32, #tpu.memory_space<hbm>>
    %dma_wait3A_393 = tpu.memref_squeeze %dma_wait3A_392 : memref<1x512xi32, #tpu.memory_space<hbm>> -> memref<512xi32, #tpu.memory_space<hbm>>
    tpu.wait_dma2 semaphore(%arg9 : memref<!tpu.dma_semaphore, #tpu.memory_space<semaphore_mem>>) src(%dma_wait3A_393 : memref<512xi32, #tpu.memory_space<hbm>>) dst(%dma_wait3A_391 : memref<512xi32, #tpu.memory_space<vmem>>)
    %dma_wait3A_394 = arith.constant 11 : i32
    %dma_wait3A_395 = arith.constant 5632 : i32
    %dma_wait3A_396 = tpu.memref_slice %arg5[%dma_wait3A_395] : memref<13312xi32, #tpu.memory_space<vmem>> -> memref<512xi32, #tpu.memory_space<vmem>>
    %dma_wait3A_397 = tpu.memref_slice %arg2[%dma_wait3A_394, %mul3A_122] : memref<26x16384xi32, #tpu.memory_space<hbm>> -> memref<1x512xi32, #tpu.memory_space<hbm>>
    %dma_wait3A_398 = tpu.memref_squeeze %dma_wait3A_397 : memref<1x512xi32, #tpu.memory_space<hbm>> -> memref<512xi32, #tpu.memory_space<hbm>>
    %dma_wait3A_399 = arith.constant 5632 : i32
    %dma_wait3A_400 = tpu.memref_slice %arg5[%dma_wait3A_399] : memref<13312xi32, #tpu.memory_space<vmem>> -> memref<512xi32, #tpu.memory_space<vmem>>
    %dma_wait3A_401 = tpu.memref_slice %arg2[%dma_wait3A_394, %mul3A_122] : memref<26x16384xi32, #tpu.memory_space<hbm>> -> memref<1x512xi32, #tpu.memory_space<hbm>>
    %dma_wait3A_402 = tpu.memref_squeeze %dma_wait3A_401 : memref<1x512xi32, #tpu.memory_space<hbm>> -> memref<512xi32, #tpu.memory_space<hbm>>
    tpu.wait_dma2 semaphore(%arg9 : memref<!tpu.dma_semaphore, #tpu.memory_space<semaphore_mem>>) src(%dma_wait3A_402 : memref<512xi32, #tpu.memory_space<hbm>>) dst(%dma_wait3A_400 : memref<512xi32, #tpu.memory_space<vmem>>)
    %dma_wait3A_403 = arith.constant 12 : i32
    %dma_wait3A_404 = arith.constant 6144 : i32
    %dma_wait3A_405 = tpu.memref_slice %arg5[%dma_wait3A_404] : memref<13312xi32, #tpu.memory_space<vmem>> -> memref<512xi32, #tpu.memory_space<vmem>>
    %dma_wait3A_406 = tpu.memref_slice %arg2[%dma_wait3A_403, %mul3A_133] : memref<26x16384xi32, #tpu.memory_space<hbm>> -> memref<1x512xi32, #tpu.memory_space<hbm>>
    %dma_wait3A_407 = tpu.memref_squeeze %dma_wait3A_406 : memref<1x512xi32, #tpu.memory_space<hbm>> -> memref<512xi32, #tpu.memory_space<hbm>>
    %dma_wait3A_408 = arith.constant 6144 : i32
    %dma_wait3A_409 = tpu.memref_slice %arg5[%dma_wait3A_408] : memref<13312xi32, #tpu.memory_space<vmem>> -> memref<512xi32, #tpu.memory_space<vmem>>
    %dma_wait3A_410 = tpu.memref_slice %arg2[%dma_wait3A_403, %mul3A_133] : memref<26x16384xi32, #tpu.memory_space<hbm>> -> memref<1x512xi32, #tpu.memory_space<hbm>>
    %dma_wait3A_411 = tpu.memref_squeeze %dma_wait3A_410 : memref<1x512xi32, #tpu.memory_space<hbm>> -> memref<512xi32, #tpu.memory_space<hbm>>
    tpu.wait_dma2 semaphore(%arg9 : memref<!tpu.dma_semaphore, #tpu.memory_space<semaphore_mem>>) src(%dma_wait3A_411 : memref<512xi32, #tpu.memory_space<hbm>>) dst(%dma_wait3A_409 : memref<512xi32, #tpu.memory_space<vmem>>)
    %dma_wait3A_412 = arith.constant 13 : i32
    %dma_wait3A_413 = arith.constant 6656 : i32
    %dma_wait3A_414 = tpu.memref_slice %arg5[%dma_wait3A_413] : memref<13312xi32, #tpu.memory_space<vmem>> -> memref<512xi32, #tpu.memory_space<vmem>>
    %dma_wait3A_415 = tpu.memref_slice %arg2[%dma_wait3A_412, %mul3A_144] : memref<26x16384xi32, #tpu.memory_space<hbm>> -> memref<1x512xi32, #tpu.memory_space<hbm>>
    %dma_wait3A_416 = tpu.memref_squeeze %dma_wait3A_415 : memref<1x512xi32, #tpu.memory_space<hbm>> -> memref<512xi32, #tpu.memory_space<hbm>>
    %dma_wait3A_417 = arith.constant 6656 : i32
    %dma_wait3A_418 = tpu.memref_slice %arg5[%dma_wait3A_417] : memref<13312xi32, #tpu.memory_space<vmem>> -> memref<512xi32, #tpu.memory_space<vmem>>
    %dma_wait3A_419 = tpu.memref_slice %arg2[%dma_wait3A_412, %mul3A_144] : memref<26x16384xi32, #tpu.memory_space<hbm>> -> memref<1x512xi32, #tpu.memory_space<hbm>>
    %dma_wait3A_420 = tpu.memref_squeeze %dma_wait3A_419 : memref<1x512xi32, #tpu.memory_space<hbm>> -> memref<512xi32, #tpu.memory_space<hbm>>
    tpu.wait_dma2 semaphore(%arg9 : memref<!tpu.dma_semaphore, #tpu.memory_space<semaphore_mem>>) src(%dma_wait3A_420 : memref<512xi32, #tpu.memory_space<hbm>>) dst(%dma_wait3A_418 : memref<512xi32, #tpu.memory_space<vmem>>)
    %dma_wait3A_421 = arith.constant 14 : i32
    %dma_wait3A_422 = arith.constant 7168 : i32
    %dma_wait3A_423 = tpu.memref_slice %arg5[%dma_wait3A_422] : memref<13312xi32, #tpu.memory_space<vmem>> -> memref<512xi32, #tpu.memory_space<vmem>>
    %dma_wait3A_424 = tpu.memref_slice %arg2[%dma_wait3A_421, %mul3A_155] : memref<26x16384xi32, #tpu.memory_space<hbm>> -> memref<1x512xi32, #tpu.memory_space<hbm>>
    %dma_wait3A_425 = tpu.memref_squeeze %dma_wait3A_424 : memref<1x512xi32, #tpu.memory_space<hbm>> -> memref<512xi32, #tpu.memory_space<hbm>>
    %dma_wait3A_426 = arith.constant 7168 : i32
    %dma_wait3A_427 = tpu.memref_slice %arg5[%dma_wait3A_426] : memref<13312xi32, #tpu.memory_space<vmem>> -> memref<512xi32, #tpu.memory_space<vmem>>
    %dma_wait3A_428 = tpu.memref_slice %arg2[%dma_wait3A_421, %mul3A_155] : memref<26x16384xi32, #tpu.memory_space<hbm>> -> memref<1x512xi32, #tpu.memory_space<hbm>>
    %dma_wait3A_429 = tpu.memref_squeeze %dma_wait3A_428 : memref<1x512xi32, #tpu.memory_space<hbm>> -> memref<512xi32, #tpu.memory_space<hbm>>
    tpu.wait_dma2 semaphore(%arg9 : memref<!tpu.dma_semaphore, #tpu.memory_space<semaphore_mem>>) src(%dma_wait3A_429 : memref<512xi32, #tpu.memory_space<hbm>>) dst(%dma_wait3A_427 : memref<512xi32, #tpu.memory_space<vmem>>)
    %dma_wait3A_430 = arith.constant 15 : i32
    %dma_wait3A_431 = arith.constant 7680 : i32
    %dma_wait3A_432 = tpu.memref_slice %arg5[%dma_wait3A_431] : memref<13312xi32, #tpu.memory_space<vmem>> -> memref<512xi32, #tpu.memory_space<vmem>>
    %dma_wait3A_433 = tpu.memref_slice %arg2[%dma_wait3A_430, %mul3A_166] : memref<26x16384xi32, #tpu.memory_space<hbm>> -> memref<1x512xi32, #tpu.memory_space<hbm>>
    %dma_wait3A_434 = tpu.memref_squeeze %dma_wait3A_433 : memref<1x512xi32, #tpu.memory_space<hbm>> -> memref<512xi32, #tpu.memory_space<hbm>>
    %dma_wait3A_435 = arith.constant 7680 : i32
    %dma_wait3A_436 = tpu.memref_slice %arg5[%dma_wait3A_435] : memref<13312xi32, #tpu.memory_space<vmem>> -> memref<512xi32, #tpu.memory_space<vmem>>
    %dma_wait3A_437 = tpu.memref_slice %arg2[%dma_wait3A_430, %mul3A_166] : memref<26x16384xi32, #tpu.memory_space<hbm>> -> memref<1x512xi32, #tpu.memory_space<hbm>>
    %dma_wait3A_438 = tpu.memref_squeeze %dma_wait3A_437 : memref<1x512xi32, #tpu.memory_space<hbm>> -> memref<512xi32, #tpu.memory_space<hbm>>
    tpu.wait_dma2 semaphore(%arg9 : memref<!tpu.dma_semaphore, #tpu.memory_space<semaphore_mem>>) src(%dma_wait3A_438 : memref<512xi32, #tpu.memory_space<hbm>>) dst(%dma_wait3A_436 : memref<512xi32, #tpu.memory_space<vmem>>)
    %dma_wait3A_439 = arith.constant 16 : i32
    %dma_wait3A_440 = arith.constant 8192 : i32
    %dma_wait3A_441 = tpu.memref_slice %arg5[%dma_wait3A_440] : memref<13312xi32, #tpu.memory_space<vmem>> -> memref<512xi32, #tpu.memory_space<vmem>>
    %dma_wait3A_442 = tpu.memref_slice %arg2[%dma_wait3A_439, %mul3A_177] : memref<26x16384xi32, #tpu.memory_space<hbm>> -> memref<1x512xi32, #tpu.memory_space<hbm>>
    %dma_wait3A_443 = tpu.memref_squeeze %dma_wait3A_442 : memref<1x512xi32, #tpu.memory_space<hbm>> -> memref<512xi32, #tpu.memory_space<hbm>>
    %dma_wait3A_444 = arith.constant 8192 : i32
    %dma_wait3A_445 = tpu.memref_slice %arg5[%dma_wait3A_444] : memref<13312xi32, #tpu.memory_space<vmem>> -> memref<512xi32, #tpu.memory_space<vmem>>
    %dma_wait3A_446 = tpu.memref_slice %arg2[%dma_wait3A_439, %mul3A_177] : memref<26x16384xi32, #tpu.memory_space<hbm>> -> memref<1x512xi32, #tpu.memory_space<hbm>>
    %dma_wait3A_447 = tpu.memref_squeeze %dma_wait3A_446 : memref<1x512xi32, #tpu.memory_space<hbm>> -> memref<512xi32, #tpu.memory_space<hbm>>
    tpu.wait_dma2 semaphore(%arg9 : memref<!tpu.dma_semaphore, #tpu.memory_space<semaphore_mem>>) src(%dma_wait3A_447 : memref<512xi32, #tpu.memory_space<hbm>>) dst(%dma_wait3A_445 : memref<512xi32, #tpu.memory_space<vmem>>)
    %dma_wait3A_448 = arith.constant 17 : i32
    %dma_wait3A_449 = arith.constant 8704 : i32
    %dma_wait3A_450 = tpu.memref_slice %arg5[%dma_wait3A_449] : memref<13312xi32, #tpu.memory_space<vmem>> -> memref<512xi32, #tpu.memory_space<vmem>>
    %dma_wait3A_451 = tpu.memref_slice %arg2[%dma_wait3A_448, %mul3A_188] : memref<26x16384xi32, #tpu.memory_space<hbm>> -> memref<1x512xi32, #tpu.memory_space<hbm>>
    %dma_wait3A_452 = tpu.memref_squeeze %dma_wait3A_451 : memref<1x512xi32, #tpu.memory_space<hbm>> -> memref<512xi32, #tpu.memory_space<hbm>>
    %dma_wait3A_453 = arith.constant 8704 : i32
    %dma_wait3A_454 = tpu.memref_slice %arg5[%dma_wait3A_453] : memref<13312xi32, #tpu.memory_space<vmem>> -> memref<512xi32, #tpu.memory_space<vmem>>
    %dma_wait3A_455 = tpu.memref_slice %arg2[%dma_wait3A_448, %mul3A_188] : memref<26x16384xi32, #tpu.memory_space<hbm>> -> memref<1x512xi32, #tpu.memory_space<hbm>>
    %dma_wait3A_456 = tpu.memref_squeeze %dma_wait3A_455 : memref<1x512xi32, #tpu.memory_space<hbm>> -> memref<512xi32, #tpu.memory_space<hbm>>
    tpu.wait_dma2 semaphore(%arg9 : memref<!tpu.dma_semaphore, #tpu.memory_space<semaphore_mem>>) src(%dma_wait3A_456 : memref<512xi32, #tpu.memory_space<hbm>>) dst(%dma_wait3A_454 : memref<512xi32, #tpu.memory_space<vmem>>)
    %dma_wait3A_457 = arith.constant 18 : i32
    %dma_wait3A_458 = arith.constant 9216 : i32
    %dma_wait3A_459 = tpu.memref_slice %arg5[%dma_wait3A_458] : memref<13312xi32, #tpu.memory_space<vmem>> -> memref<512xi32, #tpu.memory_space<vmem>>
    %dma_wait3A_460 = tpu.memref_slice %arg2[%dma_wait3A_457, %mul3A_199] : memref<26x16384xi32, #tpu.memory_space<hbm>> -> memref<1x512xi32, #tpu.memory_space<hbm>>
    %dma_wait3A_461 = tpu.memref_squeeze %dma_wait3A_460 : memref<1x512xi32, #tpu.memory_space<hbm>> -> memref<512xi32, #tpu.memory_space<hbm>>
    %dma_wait3A_462 = arith.constant 9216 : i32
    %dma_wait3A_463 = tpu.memref_slice %arg5[%dma_wait3A_462] : memref<13312xi32, #tpu.memory_space<vmem>> -> memref<512xi32, #tpu.memory_space<vmem>>
    %dma_wait3A_464 = tpu.memref_slice %arg2[%dma_wait3A_457, %mul3A_199] : memref<26x16384xi32, #tpu.memory_space<hbm>> -> memref<1x512xi32, #tpu.memory_space<hbm>>
    %dma_wait3A_465 = tpu.memref_squeeze %dma_wait3A_464 : memref<1x512xi32, #tpu.memory_space<hbm>> -> memref<512xi32, #tpu.memory_space<hbm>>
    tpu.wait_dma2 semaphore(%arg9 : memref<!tpu.dma_semaphore, #tpu.memory_space<semaphore_mem>>) src(%dma_wait3A_465 : memref<512xi32, #tpu.memory_space<hbm>>) dst(%dma_wait3A_463 : memref<512xi32, #tpu.memory_space<vmem>>)
    %dma_wait3A_466 = arith.constant 19 : i32
    %dma_wait3A_467 = arith.constant 9728 : i32
    %dma_wait3A_468 = tpu.memref_slice %arg5[%dma_wait3A_467] : memref<13312xi32, #tpu.memory_space<vmem>> -> memref<512xi32, #tpu.memory_space<vmem>>
    %dma_wait3A_469 = tpu.memref_slice %arg2[%dma_wait3A_466, %mul3A_210] : memref<26x16384xi32, #tpu.memory_space<hbm>> -> memref<1x512xi32, #tpu.memory_space<hbm>>
    %dma_wait3A_470 = tpu.memref_squeeze %dma_wait3A_469 : memref<1x512xi32, #tpu.memory_space<hbm>> -> memref<512xi32, #tpu.memory_space<hbm>>
    %dma_wait3A_471 = arith.constant 9728 : i32
    %dma_wait3A_472 = tpu.memref_slice %arg5[%dma_wait3A_471] : memref<13312xi32, #tpu.memory_space<vmem>> -> memref<512xi32, #tpu.memory_space<vmem>>
    %dma_wait3A_473 = tpu.memref_slice %arg2[%dma_wait3A_466, %mul3A_210] : memref<26x16384xi32, #tpu.memory_space<hbm>> -> memref<1x512xi32, #tpu.memory_space<hbm>>
    %dma_wait3A_474 = tpu.memref_squeeze %dma_wait3A_473 : memref<1x512xi32, #tpu.memory_space<hbm>> -> memref<512xi32, #tpu.memory_space<hbm>>
    tpu.wait_dma2 semaphore(%arg9 : memref<!tpu.dma_semaphore, #tpu.memory_space<semaphore_mem>>) src(%dma_wait3A_474 : memref<512xi32, #tpu.memory_space<hbm>>) dst(%dma_wait3A_472 : memref<512xi32, #tpu.memory_space<vmem>>)
    %dma_wait3A_475 = arith.constant 20 : i32
    %dma_wait3A_476 = arith.constant 10240 : i32
    %dma_wait3A_477 = tpu.memref_slice %arg5[%dma_wait3A_476] : memref<13312xi32, #tpu.memory_space<vmem>> -> memref<512xi32, #tpu.memory_space<vmem>>
    %dma_wait3A_478 = tpu.memref_slice %arg2[%dma_wait3A_475, %mul3A_221] : memref<26x16384xi32, #tpu.memory_space<hbm>> -> memref<1x512xi32, #tpu.memory_space<hbm>>
    %dma_wait3A_479 = tpu.memref_squeeze %dma_wait3A_478 : memref<1x512xi32, #tpu.memory_space<hbm>> -> memref<512xi32, #tpu.memory_space<hbm>>
    %dma_wait3A_480 = arith.constant 10240 : i32
    %dma_wait3A_481 = tpu.memref_slice %arg5[%dma_wait3A_480] : memref<13312xi32, #tpu.memory_space<vmem>> -> memref<512xi32, #tpu.memory_space<vmem>>
    %dma_wait3A_482 = tpu.memref_slice %arg2[%dma_wait3A_475, %mul3A_221] : memref<26x16384xi32, #tpu.memory_space<hbm>> -> memref<1x512xi32, #tpu.memory_space<hbm>>
    %dma_wait3A_483 = tpu.memref_squeeze %dma_wait3A_482 : memref<1x512xi32, #tpu.memory_space<hbm>> -> memref<512xi32, #tpu.memory_space<hbm>>
    tpu.wait_dma2 semaphore(%arg9 : memref<!tpu.dma_semaphore, #tpu.memory_space<semaphore_mem>>) src(%dma_wait3A_483 : memref<512xi32, #tpu.memory_space<hbm>>) dst(%dma_wait3A_481 : memref<512xi32, #tpu.memory_space<vmem>>)
    %dma_wait3A_484 = arith.constant 21 : i32
    %dma_wait3A_485 = arith.constant 10752 : i32
    %dma_wait3A_486 = tpu.memref_slice %arg5[%dma_wait3A_485] : memref<13312xi32, #tpu.memory_space<vmem>> -> memref<512xi32, #tpu.memory_space<vmem>>
    %dma_wait3A_487 = tpu.memref_slice %arg2[%dma_wait3A_484, %mul3A_232] : memref<26x16384xi32, #tpu.memory_space<hbm>> -> memref<1x512xi32, #tpu.memory_space<hbm>>
    %dma_wait3A_488 = tpu.memref_squeeze %dma_wait3A_487 : memref<1x512xi32, #tpu.memory_space<hbm>> -> memref<512xi32, #tpu.memory_space<hbm>>
    %dma_wait3A_489 = arith.constant 10752 : i32
    %dma_wait3A_490 = tpu.memref_slice %arg5[%dma_wait3A_489] : memref<13312xi32, #tpu.memory_space<vmem>> -> memref<512xi32, #tpu.memory_space<vmem>>
    %dma_wait3A_491 = tpu.memref_slice %arg2[%dma_wait3A_484, %mul3A_232] : memref<26x16384xi32, #tpu.memory_space<hbm>> -> memref<1x512xi32, #tpu.memory_space<hbm>>
    %dma_wait3A_492 = tpu.memref_squeeze %dma_wait3A_491 : memref<1x512xi32, #tpu.memory_space<hbm>> -> memref<512xi32, #tpu.memory_space<hbm>>
    tpu.wait_dma2 semaphore(%arg9 : memref<!tpu.dma_semaphore, #tpu.memory_space<semaphore_mem>>) src(%dma_wait3A_492 : memref<512xi32, #tpu.memory_space<hbm>>) dst(%dma_wait3A_490 : memref<512xi32, #tpu.memory_space<vmem>>)
    %dma_wait3A_493 = arith.constant 22 : i32
    %dma_wait3A_494 = arith.constant 11264 : i32
    %dma_wait3A_495 = tpu.memref_slice %arg5[%dma_wait3A_494] : memref<13312xi32, #tpu.memory_space<vmem>> -> memref<512xi32, #tpu.memory_space<vmem>>
    %dma_wait3A_496 = tpu.memref_slice %arg2[%dma_wait3A_493, %mul3A_243] : memref<26x16384xi32, #tpu.memory_space<hbm>> -> memref<1x512xi32, #tpu.memory_space<hbm>>
    %dma_wait3A_497 = tpu.memref_squeeze %dma_wait3A_496 : memref<1x512xi32, #tpu.memory_space<hbm>> -> memref<512xi32, #tpu.memory_space<hbm>>
    %dma_wait3A_498 = arith.constant 11264 : i32
    %dma_wait3A_499 = tpu.memref_slice %arg5[%dma_wait3A_498] : memref<13312xi32, #tpu.memory_space<vmem>> -> memref<512xi32, #tpu.memory_space<vmem>>
    %dma_wait3A_500 = tpu.memref_slice %arg2[%dma_wait3A_493, %mul3A_243] : memref<26x16384xi32, #tpu.memory_space<hbm>> -> memref<1x512xi32, #tpu.memory_space<hbm>>
    %dma_wait3A_501 = tpu.memref_squeeze %dma_wait3A_500 : memref<1x512xi32, #tpu.memory_space<hbm>> -> memref<512xi32, #tpu.memory_space<hbm>>
    tpu.wait_dma2 semaphore(%arg9 : memref<!tpu.dma_semaphore, #tpu.memory_space<semaphore_mem>>) src(%dma_wait3A_501 : memref<512xi32, #tpu.memory_space<hbm>>) dst(%dma_wait3A_499 : memref<512xi32, #tpu.memory_space<vmem>>)
    %dma_wait3A_502 = arith.constant 23 : i32
    %dma_wait3A_503 = arith.constant 11776 : i32
    %dma_wait3A_504 = tpu.memref_slice %arg5[%dma_wait3A_503] : memref<13312xi32, #tpu.memory_space<vmem>> -> memref<512xi32, #tpu.memory_space<vmem>>
    %dma_wait3A_505 = tpu.memref_slice %arg2[%dma_wait3A_502, %mul3A_254] : memref<26x16384xi32, #tpu.memory_space<hbm>> -> memref<1x512xi32, #tpu.memory_space<hbm>>
    %dma_wait3A_506 = tpu.memref_squeeze %dma_wait3A_505 : memref<1x512xi32, #tpu.memory_space<hbm>> -> memref<512xi32, #tpu.memory_space<hbm>>
    %dma_wait3A_507 = arith.constant 11776 : i32
    %dma_wait3A_508 = tpu.memref_slice %arg5[%dma_wait3A_507] : memref<13312xi32, #tpu.memory_space<vmem>> -> memref<512xi32, #tpu.memory_space<vmem>>
    %dma_wait3A_509 = tpu.memref_slice %arg2[%dma_wait3A_502, %mul3A_254] : memref<26x16384xi32, #tpu.memory_space<hbm>> -> memref<1x512xi32, #tpu.memory_space<hbm>>
    %dma_wait3A_510 = tpu.memref_squeeze %dma_wait3A_509 : memref<1x512xi32, #tpu.memory_space<hbm>> -> memref<512xi32, #tpu.memory_space<hbm>>
    tpu.wait_dma2 semaphore(%arg9 : memref<!tpu.dma_semaphore, #tpu.memory_space<semaphore_mem>>) src(%dma_wait3A_510 : memref<512xi32, #tpu.memory_space<hbm>>) dst(%dma_wait3A_508 : memref<512xi32, #tpu.memory_space<vmem>>)
    %dma_wait3A_511 = arith.constant 24 : i32
    %dma_wait3A_512 = arith.constant 12288 : i32
    %dma_wait3A_513 = tpu.memref_slice %arg5[%dma_wait3A_512] : memref<13312xi32, #tpu.memory_space<vmem>> -> memref<512xi32, #tpu.memory_space<vmem>>
    %dma_wait3A_514 = tpu.memref_slice %arg2[%dma_wait3A_511, %mul3A_265] : memref<26x16384xi32, #tpu.memory_space<hbm>> -> memref<1x512xi32, #tpu.memory_space<hbm>>
    %dma_wait3A_515 = tpu.memref_squeeze %dma_wait3A_514 : memref<1x512xi32, #tpu.memory_space<hbm>> -> memref<512xi32, #tpu.memory_space<hbm>>
    %dma_wait3A_516 = arith.constant 12288 : i32
    %dma_wait3A_517 = tpu.memref_slice %arg5[%dma_wait3A_516] : memref<13312xi32, #tpu.memory_space<vmem>> -> memref<512xi32, #tpu.memory_space<vmem>>
    %dma_wait3A_518 = tpu.memref_slice %arg2[%dma_wait3A_511, %mul3A_265] : memref<26x16384xi32, #tpu.memory_space<hbm>> -> memref<1x512xi32, #tpu.memory_space<hbm>>
    %dma_wait3A_519 = tpu.memref_squeeze %dma_wait3A_518 : memref<1x512xi32, #tpu.memory_space<hbm>> -> memref<512xi32, #tpu.memory_space<hbm>>
    tpu.wait_dma2 semaphore(%arg9 : memref<!tpu.dma_semaphore, #tpu.memory_space<semaphore_mem>>) src(%dma_wait3A_519 : memref<512xi32, #tpu.memory_space<hbm>>) dst(%dma_wait3A_517 : memref<512xi32, #tpu.memory_space<vmem>>)
    %dma_wait3A_520 = arith.constant 25 : i32
    %dma_wait3A_521 = arith.constant 12800 : i32
    %dma_wait3A_522 = tpu.memref_slice %arg5[%dma_wait3A_521] : memref<13312xi32, #tpu.memory_space<vmem>> -> memref<512xi32, #tpu.memory_space<vmem>>
    %dma_wait3A_523 = tpu.memref_slice %arg2[%dma_wait3A_520, %mul3A_276] : memref<26x16384xi32, #tpu.memory_space<hbm>> -> memref<1x512xi32, #tpu.memory_space<hbm>>
    %dma_wait3A_524 = tpu.memref_squeeze %dma_wait3A_523 : memref<1x512xi32, #tpu.memory_space<hbm>> -> memref<512xi32, #tpu.memory_space<hbm>>
    %dma_wait3A_525 = arith.constant 12800 : i32
    %dma_wait3A_526 = tpu.memref_slice %arg5[%dma_wait3A_525] : memref<13312xi32, #tpu.memory_space<vmem>> -> memref<512xi32, #tpu.memory_space<vmem>>
    %dma_wait3A_527 = tpu.memref_slice %arg2[%dma_wait3A_520, %mul3A_276] : memref<26x16384xi32, #tpu.memory_space<hbm>> -> memref<1x512xi32, #tpu.memory_space<hbm>>
    %dma_wait3A_528 = tpu.memref_squeeze %dma_wait3A_527 : memref<1x512xi32, #tpu.memory_space<hbm>> -> memref<512xi32, #tpu.memory_space<hbm>>
    tpu.wait_dma2 semaphore(%arg9 : memref<!tpu.dma_semaphore, #tpu.memory_space<semaphore_mem>>) src(%dma_wait3A_528 : memref<512xi32, #tpu.memory_space<hbm>>) dst(%dma_wait3A_526 : memref<512xi32, #tpu.memory_space<vmem>>)
    %dma_start3A_529 = arith.constant 1536 : i32
    %dma_start3A_530 = tpu.memref_slice %arg6[%dma_start3A_529] : memref<13312xf32, #tpu.memory_space<vmem>> -> memref<11776xf32, #tpu.memory_space<vmem>>
    %dma_start3A_531 = arith.constant 1536 : i32
    %dma_start3A_532 = tpu.memref_slice %arg5[%dma_start3A_531] : memref<13312xi32, #tpu.memory_space<vmem>> -> memref<11776xi32, #tpu.memory_space<vmem>>
    %dma_start3A_533 = arith.constant 0 : i32
    %dma_start3A_534 = tpu.memref_slice %arg3[%dma_start3A_533] : memref<1000448xf32, #tpu.memory_space<hbm>> -> memref<1000448xf32, #tpu.memory_space<hbm>>
    tpu.enqueue_indirect_dma source(%dma_start3A_534 : memref<1000448xf32, #tpu.memory_space<hbm>>) target(%dma_start3A_530 : memref<11776xf32, #tpu.memory_space<vmem>>) offsets(%dma_start3A_532 : memref<11776xi32, #tpu.memory_space<vmem>>) semaphore(%arg10 : memref<!tpu.dma_semaphore, #tpu.memory_space<semaphore_mem>>)
    %dma_wait3A_535 = arith.constant 1000000 : i32
    %dma_wait3A_536 = tpu.memref_slice %arg3[%dma_wait3A_535] : memref<1000448xf32, #tpu.memory_space<hbm>> -> memref<16xf32, #tpu.memory_space<hbm>>
    %dma_wait3A_537 = arith.constant 1000000 : i32
    %dma_wait3A_538 = tpu.memref_slice %arg3[%dma_wait3A_537] : memref<1000448xf32, #tpu.memory_space<hbm>> -> memref<16xf32, #tpu.memory_space<hbm>>
    tpu.wait_dma2 semaphore(%arg9 : memref<!tpu.dma_semaphore, #tpu.memory_space<semaphore_mem>>) src(%dma_wait3A_538 : memref<16xf32, #tpu.memory_space<hbm>>) dst(%arg7 : memref<16xf32, #tpu.memory_space<vmem>>)
    %get3A = arith.constant 0 : index
    %get3A_539 = tpu.vector_load %arg7[%get3A] {strides = array<i32>} : memref<16xf32, #tpu.memory_space<vmem>>, vector<16xf32>,
    %dma_wait3A_540 = arith.constant 0 : i32
    %dma_wait3A_541 = tpu.memref_slice %arg6[%dma_wait3A_540] : memref<13312xf32, #tpu.memory_space<vmem>> -> memref<1536xf32, #tpu.memory_space<vmem>>
    %dma_wait3A_542 = arith.constant 0 : i32
    %dma_wait3A_543 = tpu.memref_slice %arg5[%dma_wait3A_542] : memref<13312xi32, #tpu.memory_space<vmem>> -> memref<1536xi32, #tpu.memory_space<vmem>>
    %dma_wait3A_544 = arith.constant 0 : i32
    %dma_wait3A_545 = tpu.memref_slice %arg3[%dma_wait3A_544] : memref<1000448xf32, #tpu.memory_space<hbm>> -> memref<1000448xf32, #tpu.memory_space<hbm>>
    tpu.wait_indirect_dma semaphore(%arg10 : memref<!tpu.dma_semaphore, #tpu.memory_space<semaphore_mem>>) src(%dma_wait3A_545 : memref<1000448xf32, #tpu.memory_space<hbm>>) dst(%dma_wait3A_541 : memref<1536xf32, #tpu.memory_space<vmem>>)
    %scan3A = arith.constant 0 : i32
    %scan3A_546 = arith.constant 32 : i32
    %scan3A_547 = arith.addi %scan3A, %scan3A_546 : i32
    %scan3A_548 = arith.constant 1 : i32
    scf.for %scan3A_563 = %scan3A to %scan3A_547 step %scan3A_548  : i32 {
      %mul3A_564 = arith.constant 16 : i32
      %mul3A_565 = arith.muli %scan3A_563, %mul3A_564 : i32
      %add3A_566 = arith.constant 0 : i32
      %add3A_567 = arith.addi %add3A_566, %mul3A_565 : i32
      %add3A_568 = arith.constant 0 : i32
      %add3A_569 = arith.addi %add3A_568, %add3A_567 : i32
      %get3A_570 = arith.index_cast %add3A_569 : i32 to index
      %get3A_571 = tpu.vector_load %arg6[%get3A_570] {strides = array<i32>} : memref<13312xf32, #tpu.memory_space<vmem>>, vector<16xf32>,
      %add3A_572 = arith.constant 512 : i32
      %add3A_573 = arith.addi %add3A_572, %add3A_567 : i32
      %get3A_574 = arith.index_cast %add3A_573 : i32 to index
      %get3A_575 = tpu.vector_load %arg6[%get3A_574] {strides = array<i32>} : memref<13312xf32, #tpu.memory_space<vmem>>, vector<16xf32>,
      %add3A_576 = arith.constant 1024 : i32
      %add3A_577 = arith.addi %add3A_576, %add3A_567 : i32
      %get3A_578 = arith.index_cast %add3A_577 : i32 to index
      %get3A_579 = tpu.vector_load %arg6[%get3A_578] {strides = array<i32>} : memref<13312xf32, #tpu.memory_space<vmem>>, vector<16xf32>,
      %add3A_580 = arith.addf %get3A_539, %get3A_571 : vector<16xf32>
      %add3A_581 = arith.addf %get3A_575, %get3A_579 : vector<16xf32>
      %add3A_582 = arith.addf %add3A_580, %add3A_581 : vector<16xf32>
      %swap3A = arith.index_cast %add3A_567 : i32 to index
      %swap3A_583 = tpu.vector_load %arg8[%swap3A] {strides = array<i32>} : memref<512xf32, #tpu.memory_space<vmem>>, vector<16xf32>,
      tpu.vector_store %arg8[%swap3A], %add3A_582 {strides = array<i32>} : memref<512xf32, #tpu.memory_space<vmem>>, vector<16xf32>,
    }
    %scan3A_549 = arith.constant 32 : i32
    %dma_wait3A_550 = arith.constant 1536 : i32
    %dma_wait3A_551 = tpu.memref_slice %arg6[%dma_wait3A_550] : memref<13312xf32, #tpu.memory_space<vmem>> -> memref<11776xf32, #tpu.memory_space<vmem>>
    %dma_wait3A_552 = arith.constant 1536 : i32
    %dma_wait3A_553 = tpu.memref_slice %arg5[%dma_wait3A_552] : memref<13312xi32, #tpu.memory_space<vmem>> -> memref<11776xi32, #tpu.memory_space<vmem>>
    %dma_wait3A_554 = arith.constant 0 : i32
    %dma_wait3A_555 = tpu.memref_slice %arg3[%dma_wait3A_554] : memref<1000448xf32, #tpu.memory_space<hbm>> -> memref<1000448xf32, #tpu.memory_space<hbm>>
    tpu.wait_indirect_dma semaphore(%arg10 : memref<!tpu.dma_semaphore, #tpu.memory_space<semaphore_mem>>) src(%dma_wait3A_555 : memref<1000448xf32, #tpu.memory_space<hbm>>) dst(%dma_wait3A_551 : memref<11776xf32, #tpu.memory_space<vmem>>)
    %scan3A_556 = arith.constant 0 : i32
    %scan3A_557 = arith.constant 32 : i32
    %scan3A_558 = arith.addi %scan3A_556, %scan3A_557 : i32
    %scan3A_559 = arith.constant 1 : i32
    scf.for %scan3A_563 = %scan3A_556 to %scan3A_558 step %scan3A_559  : i32 {
      %mul3A_564 = arith.constant 16 : i32
      %mul3A_565 = arith.muli %scan3A_563, %mul3A_564 : i32
      %add3A_566 = arith.constant 0 : i32
      %add3A_567 = arith.addi %add3A_566, %mul3A_565 : i32
      %get3A_568 = arith.index_cast %add3A_567 : i32 to index
      %get3A_569 = tpu.vector_load %arg8[%get3A_568] {strides = array<i32>} : memref<512xf32, #tpu.memory_space<vmem>>, vector<16xf32>,
      %add3A_570 = arith.constant 1536 : i32
      %add3A_571 = arith.addi %add3A_570, %add3A_567 : i32
      %get3A_572 = arith.index_cast %add3A_571 : i32 to index
      %get3A_573 = tpu.vector_load %arg6[%get3A_572] {strides = array<i32>} : memref<13312xf32, #tpu.memory_space<vmem>>, vector<16xf32>,
      %add3A_574 = arith.constant 2048 : i32
      %add3A_575 = arith.addi %add3A_574, %add3A_567 : i32
      %get3A_576 = arith.index_cast %add3A_575 : i32 to index
      %get3A_577 = tpu.vector_load %arg6[%get3A_576] {strides = array<i32>} : memref<13312xf32, #tpu.memory_space<vmem>>, vector<16xf32>,
      %add3A_578 = arith.constant 2560 : i32
      %add3A_579 = arith.addi %add3A_578, %add3A_567 : i32
      %get3A_580 = arith.index_cast %add3A_579 : i32 to index
      %get3A_581 = tpu.vector_load %arg6[%get3A_580] {strides = array<i32>} : memref<13312xf32, #tpu.memory_space<vmem>>, vector<16xf32>,
      %add3A_582 = arith.constant 3072 : i32
      %add3A_583 = arith.addi %add3A_582, %add3A_567 : i32
      %get3A_584 = arith.index_cast %add3A_583 : i32 to index
      %get3A_585 = tpu.vector_load %arg6[%get3A_584] {strides = array<i32>} : memref<13312xf32, #tpu.memory_space<vmem>>, vector<16xf32>,
      %add3A_586 = arith.constant 3584 : i32
      %add3A_587 = arith.addi %add3A_586, %add3A_567 : i32
      %get3A_588 = arith.index_cast %add3A_587 : i32 to index
      %get3A_589 = tpu.vector_load %arg6[%get3A_588] {strides = array<i32>} : memref<13312xf32, #tpu.memory_space<vmem>>, vector<16xf32>,
      %add3A_590 = arith.constant 4096 : i32
      %add3A_591 = arith.addi %add3A_590, %add3A_567 : i32
      %get3A_592 = arith.index_cast %add3A_591 : i32 to index
      %get3A_593 = tpu.vector_load %arg6[%get3A_592] {strides = array<i32>} : memref<13312xf32, #tpu.memory_space<vmem>>, vector<16xf32>,
      %add3A_594 = arith.constant 4608 : i32
      %add3A_595 = arith.addi %add3A_594, %add3A_567 : i32
      %get3A_596 = arith.index_cast %add3A_595 : i32 to index
      %get3A_597 = tpu.vector_load %arg6[%get3A_596] {strides = array<i32>} : memref<13312xf32, #tpu.memory_space<vmem>>, vector<16xf32>,
      %add3A_598 = arith.constant 5120 : i32
      %add3A_599 = arith.addi %add3A_598, %add3A_567 : i32
      %get3A_600 = arith.index_cast %add3A_599 : i32 to index
      %get3A_601 = tpu.vector_load %arg6[%get3A_600] {strides = array<i32>} : memref<13312xf32, #tpu.memory_space<vmem>>, vector<16xf32>,
      %add3A_602 = arith.constant 5632 : i32
      %add3A_603 = arith.addi %add3A_602, %add3A_567 : i32
      %get3A_604 = arith.index_cast %add3A_603 : i32 to index
      %get3A_605 = tpu.vector_load %arg6[%get3A_604] {strides = array<i32>} : memref<13312xf32, #tpu.memory_space<vmem>>, vector<16xf32>,
      %add3A_606 = arith.constant 6144 : i32
      %add3A_607 = arith.addi %add3A_606, %add3A_567 : i32
      %get3A_608 = arith.index_cast %add3A_607 : i32 to index
      %get3A_609 = tpu.vector_load %arg6[%get3A_608] {strides = array<i32>} : memref<13312xf32, #tpu.memory_space<vmem>>, vector<16xf32>,
      %add3A_610 = arith.constant 6656 : i32
      %add3A_611 = arith.addi %add3A_610, %add3A_567 : i32
      %get3A_612 = arith.index_cast %add3A_611 : i32 to index
      %get3A_613 = tpu.vector_load %arg6[%get3A_612] {strides = array<i32>} : memref<13312xf32, #tpu.memory_space<vmem>>, vector<16xf32>,
      %add3A_614 = arith.constant 7168 : i32
      %add3A_615 = arith.addi %add3A_614, %add3A_567 : i32
      %get3A_616 = arith.index_cast %add3A_615 : i32 to index
      %get3A_617 = tpu.vector_load %arg6[%get3A_616] {strides = array<i32>} : memref<13312xf32, #tpu.memory_space<vmem>>, vector<16xf32>,
      %add3A_618 = arith.constant 7680 : i32
      %add3A_619 = arith.addi %add3A_618, %add3A_567 : i32
      %get3A_620 = arith.index_cast %add3A_619 : i32 to index
      %get3A_621 = tpu.vector_load %arg6[%get3A_620] {strides = array<i32>} : memref<13312xf32, #tpu.memory_space<vmem>>, vector<16xf32>,
      %add3A_622 = arith.constant 8192 : i32
      %add3A_623 = arith.addi %add3A_622, %add3A_567 : i32
      %get3A_624 = arith.index_cast %add3A_623 : i32 to index
      %get3A_625 = tpu.vector_load %arg6[%get3A_624] {strides = array<i32>} : memref<13312xf32, #tpu.memory_space<vmem>>, vector<16xf32>,
      %add3A_626 = arith.constant 8704 : i32
      %add3A_627 = arith.addi %add3A_626, %add3A_567 : i32
      %get3A_628 = arith.index_cast %add3A_627 : i32 to index
      %get3A_629 = tpu.vector_load %arg6[%get3A_628] {strides = array<i32>} : memref<13312xf32, #tpu.memory_space<vmem>>, vector<16xf32>,
      %add3A_630 = arith.constant 9216 : i32
      %add3A_631 = arith.addi %add3A_630, %add3A_567 : i32
      %get3A_632 = arith.index_cast %add3A_631 : i32 to index
      %get3A_633 = tpu.vector_load %arg6[%get3A_632] {strides = array<i32>} : memref<13312xf32, #tpu.memory_space<vmem>>, vector<16xf32>,
      %add3A_634 = arith.constant 9728 : i32
      %add3A_635 = arith.addi %add3A_634, %add3A_567 : i32
      %get3A_636 = arith.index_cast %add3A_635 : i32 to index
      %get3A_637 = tpu.vector_load %arg6[%get3A_636] {strides = array<i32>} : memref<13312xf32, #tpu.memory_space<vmem>>, vector<16xf32>,
      %add3A_638 = arith.constant 10240 : i32
      %add3A_639 = arith.addi %add3A_638, %add3A_567 : i32
      %get3A_640 = arith.index_cast %add3A_639 : i32 to index
      %get3A_641 = tpu.vector_load %arg6[%get3A_640] {strides = array<i32>} : memref<13312xf32, #tpu.memory_space<vmem>>, vector<16xf32>,
      %add3A_642 = arith.constant 10752 : i32
      %add3A_643 = arith.addi %add3A_642, %add3A_567 : i32
      %get3A_644 = arith.index_cast %add3A_643 : i32 to index
      %get3A_645 = tpu.vector_load %arg6[%get3A_644] {strides = array<i32>} : memref<13312xf32, #tpu.memory_space<vmem>>, vector<16xf32>,
      %add3A_646 = arith.constant 11264 : i32
      %add3A_647 = arith.addi %add3A_646, %add3A_567 : i32
      %get3A_648 = arith.index_cast %add3A_647 : i32 to index
      %get3A_649 = tpu.vector_load %arg6[%get3A_648] {strides = array<i32>} : memref<13312xf32, #tpu.memory_space<vmem>>, vector<16xf32>,
      %add3A_650 = arith.constant 11776 : i32
      %add3A_651 = arith.addi %add3A_650, %add3A_567 : i32
      %get3A_652 = arith.index_cast %add3A_651 : i32 to index
      %get3A_653 = tpu.vector_load %arg6[%get3A_652] {strides = array<i32>} : memref<13312xf32, #tpu.memory_space<vmem>>, vector<16xf32>,
      %add3A_654 = arith.constant 12288 : i32
      %add3A_655 = arith.addi %add3A_654, %add3A_567 : i32
      %get3A_656 = arith.index_cast %add3A_655 : i32 to index
      %get3A_657 = tpu.vector_load %arg6[%get3A_656] {strides = array<i32>} : memref<13312xf32, #tpu.memory_space<vmem>>, vector<16xf32>,
      %add3A_658 = arith.constant 12800 : i32
      %add3A_659 = arith.addi %add3A_658, %add3A_567 : i32
      %get3A_660 = arith.index_cast %add3A_659 : i32 to index
      %get3A_661 = tpu.vector_load %arg6[%get3A_660] {strides = array<i32>} : memref<13312xf32, #tpu.memory_space<vmem>>, vector<16xf32>,
      %add3A_662 = arith.addf %get3A_569, %get3A_573 : vector<16xf32>
      %add3A_663 = arith.addf %get3A_577, %get3A_581 : vector<16xf32>
      %add3A_664 = arith.addf %get3A_585, %get3A_589 : vector<16xf32>
      %add3A_665 = arith.addf %get3A_593, %get3A_597 : vector<16xf32>
      %add3A_666 = arith.addf %get3A_601, %get3A_605 : vector<16xf32>
      %add3A_667 = arith.addf %get3A_609, %get3A_613 : vector<16xf32>
      %add3A_668 = arith.addf %get3A_617, %get3A_621 : vector<16xf32>
      %add3A_669 = arith.addf %get3A_625, %get3A_629 : vector<16xf32>
      %add3A_670 = arith.addf %get3A_633, %get3A_637 : vector<16xf32>
      %add3A_671 = arith.addf %get3A_641, %get3A_645 : vector<16xf32>
      %add3A_672 = arith.addf %get3A_649, %get3A_653 : vector<16xf32>
      %add3A_673 = arith.addf %get3A_657, %get3A_661 : vector<16xf32>
      %add3A_674 = arith.addf %add3A_662, %add3A_663 : vector<16xf32>
      %add3A_675 = arith.addf %add3A_664, %add3A_665 : vector<16xf32>
      %add3A_676 = arith.addf %add3A_666, %add3A_667 : vector<16xf32>
      %add3A_677 = arith.addf %add3A_668, %add3A_669 : vector<16xf32>
      %add3A_678 = arith.addf %add3A_670, %add3A_671 : vector<16xf32>
      %add3A_679 = arith.addf %add3A_672, %add3A_673 : vector<16xf32>
      %add3A_680 = arith.addf %add3A_674, %add3A_675 : vector<16xf32>
      %add3A_681 = arith.addf %add3A_676, %add3A_677 : vector<16xf32>
      %add3A_682 = arith.addf %add3A_678, %add3A_679 : vector<16xf32>
      %add3A_683 = arith.addf %add3A_680, %add3A_681 : vector<16xf32>
      %add3A_684 = arith.addf %add3A_683, %add3A_682 : vector<16xf32>
      %neg3A = arith.constant 0.000000e+00 : f32
      %neg3A_685 = vector.broadcast %neg3A : f32 to vector<16xf32>
      %neg3A_686 = arith.subf %neg3A_685, %add3A_684 : vector<16xf32>
      %exp3A = math.exp %neg3A_686 : vector<16xf32>
      %add3A_687 = arith.constant 1.000000e+00 : f32
      %add3A_688 = vector.broadcast %add3A_687 : f32 to vector<16xf32>
      %add3A_689 = arith.addf %add3A_688, %exp3A : vector<16xf32>
      %div3A = arith.constant 1.000000e+00 : f32
      %div3A_690 = vector.broadcast %div3A : f32 to vector<16xf32>
      %div3A_691 = arith.divf %div3A_690, %add3A_689 : vector<16xf32>
      %swap3A = arith.index_cast %add3A_567 : i32 to index
      %swap3A_692 = tpu.vector_load %arg8[%swap3A] {strides = array<i32>} : memref<512xf32, #tpu.memory_space<vmem>>, vector<16xf32>,
      tpu.vector_store %arg8[%swap3A], %div3A_691 {strides = array<i32>} : memref<512xf32, #tpu.memory_space<vmem>>, vector<16xf32>,
    }
    %scan3A_560 = arith.constant 32 : i32
    %mul3A_561 = arith.constant 512 : i32
    %mul3A_562 = arith.muli %add3A, %mul3A_561 : i32
    "tpu.region"() ({
      %run_scoped3A = tpu.sem_alloc : memref<!tpu.dma_semaphore, #tpu.memory_space<semaphore_mem>>
      %dma_start3A_563 = tpu.memref_slice %arg4[%mul3A_562] : memref<16384xf32, #tpu.memory_space<hbm>> -> memref<512xf32, #tpu.memory_space<hbm>>
      %dma_start3A_564 = tpu.memref_slice %arg4[%mul3A_562] : memref<16384xf32, #tpu.memory_space<hbm>> -> memref<512xf32, #tpu.memory_space<hbm>>
      tpu.enqueue_dma source(%arg8 : memref<512xf32, #tpu.memory_space<vmem>>) target(%dma_start3A_564 : memref<512xf32, #tpu.memory_space<hbm>>) target_semaphore(%run_scoped3A : memref<!tpu.dma_semaphore, #tpu.memory_space<semaphore_mem>>)
      %dma_wait3A_565 = tpu.memref_slice %arg4[%mul3A_562] : memref<16384xf32, #tpu.memory_space<hbm>> -> memref<512xf32, #tpu.memory_space<hbm>>
      %dma_wait3A_566 = tpu.memref_slice %arg4[%mul3A_562] : memref<16384xf32, #tpu.memory_space<hbm>> -> memref<512xf32, #tpu.memory_space<hbm>>
      tpu.wait_dma2 semaphore(%run_scoped3A : memref<!tpu.dma_semaphore, #tpu.memory_space<semaphore_mem>>) src(%arg8 : memref<512xf32, #tpu.memory_space<vmem>>) dst(%dma_wait3A_566 : memref<512xf32, #tpu.memory_space<hbm>>)
      tpu.yield
    }) : () -> ()
    return
  }
}

</mosaic_0001>

<sc_bundles>
// kernel: kernel.3.cloned.1.call-start
scs
__scs_entry_jumppad:
0x0: {  	(pc) =	sbr.rel $0x88, $3  }
0x1: {  	(tag) =	ssettag $0x0;
	lr =	simm.s32 $0x1  }
0x2: {  	[smem:$0x3F9E] =	sst lr;
	_ =	strace $0xD0000000  }
0x3: {  	_ = 	snop  }
0x4: {  	_ = 	snop  }
0x5: {  	_ = 	snop  }
0x6: {  	_ = 	snop  }
0x7: {  	_ = 	snop  }
__scs_overlays_trampoline_lowered:
0x8: {  	[smem:$0x3FAD] =	sst s0  }
0x9: {  	[smem:$0x3FAE] =	sst s1  }
0xa: {  	[smem:$0x3FAF] =	sst s2  }
0xb: {  	[smem:$0x3FB0] =	sst s3  }
0xc: {  	[smem:$0x3FB1] =	sst s4  }
0xd: {  	[smem:$0x3FB2] =	sst s5  }
0xe: {  	[smem:$0x3FB3] =	sst s6  }
0xf: {  	[smem:$0x3FB4] =	sst s7  }
0x10: {  	[smem:$0x3FB5] =	sst s8  }
0x11: {  	[smem:$0x3FB6] =	sst s9;
	s0 =	simm.s32 @!p0 $0x0  }
0x12: {  	s1 =	sld [smem:$0x3F9C];
	s0 =	simm.s32 @p0 $0x1  }
0x13: {  	[smem:$0x3FB7] =	sst s0;
	s0 =	simm.s32 @!p1 $0x0  }
0x14: {  	s2 =	sld [smem:$0x3F9B];
	s0 =	simm.s32 @p1 $0x1  }
0x15: {  	[smem:$0x3FB8] =	sst s0;
	s0 =	simm.s32 @!p2 $0x0  }
0x16: {  	s3 =	sld [smem:$0x3FDB];
	s0 =	simm.s32 @p2 $0x1  }
0x17: {  	s4 =	simm.s32 $0x1BF5;
	[smem:$0x3FBA] =	sst s0  }
0x18: {  	s0 =	sld [smem:$0x3F9D];
	_ =	swait.ge [sflag:s4], $0x0  }
0x19: {  	s7 =	sld [smem:$0x3F9E]  }
0x1a: {  	s8 =	sadd.s32 $0xFFFFE003, lr  }
0x1b: {  	s9 =	sadd.s32 $0xFFFFFEF7, lr;
	s5 =	simm.s32 $0xFFFFFFFF;
	p2 =	slt.u32 s8, $0xFFFFF086  }
0x1c: {  	p1 =	slt.u32 s9, $0xF7A;
	s5 =	simm.s32 @!p2 $0x0  }
0x1d: {  	s5 =	simm.s32 @p1 $0x1;
	p0 =	seq.s32 s7, s2  }
0x1e: {  	s7 =	smul.u32 @!p0 $0xF7A, s2;
	p2 =	seq.s32 @!p0 s5, $0x0  }
0x1f: {  	s9 =	smul.u32 $0xF7A, s1;
	s8 =	simm.s32 @!p0 $0x1BF5;
	p2 =	por !p2, p0  }
0x20: {  	[sflag:s8] =	ssyncset.s32 @!p0 $0xFFFFF086;
	s6 =	sadd.s32 @!p0 s3, s7;
	s7 =	simm.s32 @!p0 $0x108  }
0x21: {  	s3 =	sadd.s32 s3, s9;
	s6 =	sadd.s32 @!p0 $0x88, s6;
	s7 =	simm.s32 @p2 $0x1082  }
0x22: {  	[simem:s7], [sflag:s8] =	dma.local @!p0 [hbm:s6], $0xF7A  }
0x23: {  	s9 =	sor.u32 $0xD0000000, s2;
	s6 =	simm.s32 $0x108;
	_ =	swait.ge @!p0 [sflag:s8], $0x0  }
0x24: {  	s3 =	sadd.s32 $0x88, s3;
	s6 =	simm.s32 @!p1 $0x1082;
	[sflag:s4] =	ssyncset.s32 $0xFFFFF086  }
0x25: {  	[simem:s6], [sflag:s4] =	dma.local [hbm:s3], $0xF7A  }
0x26: {  	[smem:$0x3F9E] =	sst s1;
	(tag) =	ssettag s2;
	_ =	strace s9  }
0x27: {  	s1 =	sld [smem:$0x3FAE]  }
0x28: {  	s2 =	sld [smem:$0x3FAF]  }
0x29: {  	s4 =	sld [smem:$0x3FB1]  }
0x2a: {  	p0 =	seq.s32 s5, $0x0;
	s5 =	sld [smem:$0x3FB2]  }
0x2b: {  	s6 =	sld [smem:$0x3FB3]  }
0x2c: {  	s7 =	sld [smem:$0x3FB4]  }
0x2d: {  	s3 =	simm.s32 $0x108;
	s8 =	sld [smem:$0x3FB5]  }
0x2e: {  	s3 =	simm.s32 @!p0 $0x1082;
	s9 =	sld [smem:$0x3FB6]  }
0x2f: {  	lr =	sadd.s32 s0, s3;
	s0 =	sld [smem:$0x3FAD]  }
0x30: {  	s3 =	sld [smem:$0x3FB0]  }
0x31: {  	[smem:$0x3FB9] =	sst s10  }
0x32: {  	s10 =	sld [smem:$0x3FB7];
	_ =	sdelay $0x3  }
0x33: {  	p0 =	seq.s32 s10, $0x1;
	s10 =	sld [smem:$0x3FB9];
	_ =	sdelay $0x3  }
0x34: {  	[smem:$0x3FB9] =	sst s10  }
0x35: {  	s10 =	sld [smem:$0x3FB8];
	_ =	sdelay $0x3  }
0x36: {  	p1 =	seq.s32 s10, $0x1;
	s10 =	sld [smem:$0x3FB9];
	_ =	sdelay $0x3  }
0x37: {  	[smem:$0x3FB9] =	sst s10  }
0x38: {  	s10 =	sld [smem:$0x3FBA]  }
0x39: {  	_ = 	snop;
	(pc) =	sbr.ind lr, $3  }
0x3a: {  	_ = 	snop  }
0x3b: {  	_ = 	snop  }
0x3c: {  	p2 =	seq.s32 s10, $0x1;
	s10 =	sld [smem:$0x3FB9]  }
0x3d: {  	_ =	shalt  }
0x3e: {  	_ =	shalt  }
0x3f: {  	_ =	shalt  }
0x40: {  	_ =	shalt  }
0x41: {  	_ =	shalt  }
0x42: {  	_ =	shalt  }
0x43: {  	_ =	shalt  }
0x44: {  	_ =	shalt  }
0x45: {  	_ =	shalt  }
0x46: {  	_ =	shalt  }
0x47: {  	_ =	shalt  }
0x48: {  	_ =	shalt  }
0x49: {  	_ =	shalt  }
0x4a: {  	_ =	shalt  }
0x4b: {  	_ =	shalt  }
0x4c: {  	_ =	shalt  }
0x4d: {  	_ =	shalt  }
0x4e: {  	_ =	shalt  }
0x4f: {  	_ =	shalt  }
0x50: {  	_ =	shalt  }
0x51: {  	_ =	shalt  }
0x52: {  	_ =	shalt  }
0x53: {  	_ =	shalt  }
0x54: {  	_ =	shalt  }
0x55: {  	_ =	shalt  }
0x56: {  	_ =	shalt  }
0x57: {  	_ =	shalt  }
0x58: {  	_ =	shalt  }
0x59: {  	_ =	shalt  }
0x5a: {  	_ =	shalt  }
0x5b: {  	_ =	shalt  }
0x5c: {  	_ =	shalt  }
0x5d: {  	_ =	shalt  }
0x5e: {  	_ =	shalt  }
0x5f: {  	_ =	shalt  }
0x60: {  	_ =	shalt  }
0x61: {  	_ =	shalt  }
0x62: {  	_ =	shalt  }
0x63: {  	_ =	shalt  }
0x64: {  	_ =	shalt  }
0x65: {  	_ =	shalt  }
0x66: {  	_ =	shalt  }
0x67: {  	_ =	shalt  }
0x68: {  	_ =	shalt  }
0x69: {  	_ =	shalt  }
0x6a: {  	_ =	shalt  }
0x6b: {  	_ =	shalt  }
0x6c: {  	_ =	shalt  }
0x6d: {  	_ =	shalt  }
0x6e: {  	_ =	shalt  }
0x6f: {  	_ =	shalt  }
0x70: {  	_ =	shalt  }
0x71: {  	_ =	shalt  }
0x72: {  	_ =	shalt  }
0x73: {  	_ =	shalt  }
0x74: {  	_ =	shalt  }
0x75: {  	_ =	shalt  }
0x76: {  	_ =	shalt  }
0x77: {  	_ =	shalt  }
0x78: {  	_ =	shalt  }
0x79: {  	_ =	shalt  }
0x7a: {  	_ =	shalt  }
0x7b: {  	_ =	shalt  }
0x7c: {  	_ =	shalt  }
0x7d: {  	_ =	shalt  }
0x7e: {  	_ =	shalt  }
0x7f: {  	_ =	shalt  }
0x80: {  	_ =	shalt  }
0x81: {  	_ =	shalt  }
0x82: {  	_ =	shalt  }
0x83: {  	_ =	shalt  }
0x84: {  	_ =	shalt  }
0x85: {  	_ =	shalt  }
0x86: {  	_ =	shalt  }
0x87: {  	_ =	shalt  }
.Lfunc_end0:
.L_simem_size_0:
called_computation_lowered:
.L_overlay_start_0:
0x88: {  	s2 =	sld [smem:$0x3FD9]  }
0x89: {  	s3 =	sld [smem:$0x3FFE];
	_ =	sdelay $0x1  }
0x8a: {  	s1 =	srdreg.scid  }
0x8b: {  	s0 =	sand.u32 $0x1, s1  }
0x8c: {  	s17 =	sshll.u32 s0, $0xA;
	s2 =	sadd.s32 s3, s2  }
0x8d: {  	s2 =	sadd.s32 s2, s17  }
0x8e: {  	[smem:$0x3FC5] =	sst s2  }
0x8f: {  	_ = 	snop  }
0x90: {  	s2 =	sld [smem:$0x3FC9]  }
0x91: {  	s18 =	sld [smem:$0x3FD0];
	(tm) =	ssettm $0x1  }
0x92: {  	s4 =	sld [smem:$0x3FFB];
	_ =	sdelay $0x3  }
0x93: {  	_ =	strace s4  }
0x94: {  	s4 =	sld [smem:$0x3FFC];
	_ =	sdelay $0x3  }
0x95: {  	_ =	strace s4  }
0x96: {  	s4 =	sld [smem:$0x3FFD];
	_ =	sdelay $0x3  }
0x97: {  	_ =	strace s4  }
0x98: {  	_ =	strace $0x8FFFFFFF  }
0x99: {  	s19 =	sld [smem:$0x3FDB];
	_ =	sdelay $0x1  }
0x9a: {  	s5 =	simm.s32 $_scs_section_size  }
0x9b: {  	s6 =	simm.s32 $_size__tile_overlayer_lowered;
	s7 =	simm.s32 $_tile_overlayer_lowered  }
0x9c: {  	s22 =	simm.s32 $0x1BFF;
	s21 =	sshll.u32 s7, $0x1;
	s4 =	sadd.s32 s5, s19  }
0x9d: {  	s8 =	simm.s32 $0x0;
	s20 =	sshll.u32 s6, $0x1;
	s6 =	sadd.s32 s21, s4  }
0x9e: {  	[timem:s8], [sflag:s22] =	dma.local [hbm:s6], s20  }
0x9f: {  	_ =	swait.ge [sflag:s22], s20  }
0xa0: {  	s5 =	ssub.s32 $0x0, s20;
	[sflag:s22] =	ssyncset.done $0x0  }
0xa1: {  	[sflag:s22] =	ssyncadd.s32 s5;
	_ =	sdelay $0x1  }
0xa2: {  	s23 =	simm.s32 $0x1B8B  }
0xa3: {  	_ =	swait.ge [sflag:s23], $0x1  }
0xa4: {  	[sflag:s23] =	ssyncset.done $0x0  }
0xa5: {  	s25 =	simm.s32 $0x1B8E;
	s24 =	sld [smem:$0x3FFE];
	[sflag:s23] =	ssyncadd.s32 $0xFFFFFFFF  }
0xa6: {  	s26 =	simm.s32 $execute0_lowered;
	[smem:$0x3FD2] =	sst s25  }
0xa7: {  	s6 =	sshll.u32 s26, $0x1;
	_ =	strace $0x80000046;
	[dreg:$0x1] =	wrdreg $0xFFFFFFFF  }
0xa8: {  	s28 =	simm.s32 $_size_execute0_lowered;
	s4 =	sadd.s32 s4, s6;
	[dreg:$0x0] =	wrdreg $0x0  }
0xa9: {  	s6 =	sshll.u32 s28, $0x1;
	[dreg:$0x2] =	wrdreg s4  }
0xaa: {  	[dreg:$0x3] =	wrdreg s6  }
0xab: {  	[dreg:$0x4] =	wrdreg $0xC0  }
0xac: {  	_ =	task [dreg:s8], $0x5FFFF  }
0xad: {  	[dreg:$0x1] =	wrdreg $0xFFFFFFFF  }
0xae: {  	[dreg:$0x0] =	wrdreg $0x60  }
0xaf: {  	[dreg:$0x2] =	wrdreg s2  }
0xb0: {  	[dreg:$0x3] =	wrdreg s24  }
0xb1: {  	[dreg:$0x4] =	wrdreg s18  }
0xb2: {  	[dreg:$0x5] =	wrdreg $0x9  }
0xb3: {  	_ =	task.clear_ibuf [dreg:s8], $0x6FFFF;
	_ =	strace $0x90000046  }
0xb4: {  	s29 =	simm.s32 $0x9;
	_ =	strace $0x80000048  }
0xb5: {  	_ =	swait.ge [sflag:s29], $0x1  }
0xb6: {  	[sflag:s29] =	ssyncadd.s32 $0xFFFFFFFF  }
0xb7: {  	_ =	strace $0x90000048  }
0xb8: {  	_ =	sfence  }
0xb9: {  	s30 =	sld [smem:$0x0];
	_ =	sdelay $0x2  }
0xba: {  	s31 =	sshll.u32 s1, $0xD;
	s1 =	sshrl.u32 s1, $0x2  }
0xbb: {  	s3 =	sand.u32 $0x4000, s31;
	s1 =	sadd.s32 s1, s30  }
0xbc: {  	s0 =	sor.u32 s3, s0;
	s1 =	sshll.u32 s1, $0x11  }
0xbd: {  	s0 =	sor.u32 s1, s0  }
0xbe: {  	s0 =	sadd.s32 $0x8F2B, s0  }
0xbf: {  	[sflag:s0] =	ssyncadd.remote.s32 $0x1  }
0xc0: {  	_ =	sfence.sel $0xFFFF  }
0xc1: {  	[dreg:$0x0] =	wrdreg $0xFFFFFFFF;
	(pc) =	sbr.abs _section_cstart, $3  }
0xc2: {  	[dreg:$0x1] =	wrdreg $0xFFFFFFFF  }
0xc3: {  	_ =	task.clear_ibuf [dreg:s8], $0x2FFFF;
	_ =	strace $0x9FFFFFFF  }
0xc4: {  	(tm) =	ssettm $0x7FFFFFFF  }
0xc5: {  	_ =	shalt  }
tec
execute0_lowered:
.L_overlay_start_1:
0x0: {  	(tag) =	ssettag $0x1  }
0x1: {  	s0 =	rddreg [dreg:$0x0];
	s3 =	srdreg.scid  }
0x2: {  	s1 =	rddreg [dreg:$0x1];
	s4 =	stileid.u32;
	s3 =	sand.u32 $0x1, s3  }
0x3: {  	s5 =	rddreg [dreg:$0x2];
	s4 =	sshll.u32 s4, $0xA;
	s6 =	sshll.u32 s3, $0x9  }
0x4: {  	s2 =	simm.s32 $0x0;
	s9 =	simm.s32 $0x1;
	s6 =	sor.u32 s6, s4  }
0x5: {  	s10 =	simm.s32 $0x2;
	s11 =	simm.s32 $0x6880;
	s4 =	sadd.s32 s0, s6  }
0x6: {  	s12 =	simm.s32 $0x3;
	[smem:$0x7FF] =	sst s2;
	s14 =	sadd.s32 $0x10, s4  }
0x7: {  	_ =	strace $0x80000047;
	s15 =	sadd.s32 $0x20, s4;
	[dreg:$0x4] =	wrdreg s14  }
0x8: {  	s7 =	ssub.s32 $0x2, s3;
	s16 =	sadd.s32 $0x30, s4;
	[dreg:$0x5] =	wrdreg s15  }
0x9: {  	s3 =	sadd.s32 $0xC00, s1;
	s17 =	sadd.s32 $0x40, s4;
	[dreg:$0x6] =	wrdreg s16  }
0xa: {  	s8 =	sshrl.u32 s7, $0x1;
	s18 =	sadd.s32 $0x50, s4;
	[dreg:$0x7] =	wrdreg s17  }
0xb: {  	s13 =	ssub.s32 s7, s8;
	s19 =	sadd.s32 $0x60, s4;
	[dreg:$0x8] =	wrdreg s18  }
0xc: {  	s6 =	sshrl.u32 s6, $0x3;
	s20 =	sadd.s32 $0x70, s4;
	[dreg:$0x9] =	wrdreg s19  }
0xd: {  	s7 =	simm.s32 $0x600;
	s21 =	sadd.s32 $0x4000, s4;
	[dreg:$0xa] =	wrdreg s20  }
0xe: {  	s8 =	simm.s32 $0x2E00;
	s22 =	sadd.s32 $0x4010, s4;
	[dreg:$0xb] =	wrdreg s21  }
0xf: {  	s23 =	sadd.s32 $0x4020, s4;
	s24 =	sadd.s32 $0x4030, s4;
	[dreg:$0xc] =	wrdreg s22  }
0x10: {  	s25 =	sadd.s32 $0x4040, s4;
	s26 =	sadd.s32 $0x4050, s4;
	[dreg:$0xd] =	wrdreg s23  }
0x11: {  	s28 =	sadd.s32 $0x8040, s4;
	s29 =	sadd.s32 $0x8050, s4;
	[dreg:$0xe] =	wrdreg s24  }
0x12: {  	s30 =	sadd.s32 $0x8060, s4;
	s31 =	sadd.s32 $0x8070, s4;
	[dreg:$0xf] =	wrdreg s25  }
0x13: {  	s0 =	sadd.s32 $0xC000, s4;
	[dreg:$0x10] =	wrdreg s26;
	s18 =	sadd.s32 $0x4060, s4  }
0x14: {  	s19 =	sadd.s32 $0x4070, s4;
	s20 =	sadd.s32 $0x8000, s4;
	s21 =	sadd.s32 $0x8010, s4  }
0x15: {  	s22 =	sadd.s32 s5, s6;
	s23 =	sadd.s32 $0x8020, s4;
	s24 =	sadd.s32 $0x1F448, s1  }
0x16: {  	s25 =	smax.u32 s13, $0x1;
	s26 =	sadd.s32 $0x8030, s4;
	s1 =	sadd.s32 $0xC010, s4  }
0x17: {  	s5 =	simm.s32 $0x80;
	s6 =	simm.s32 $0x400;
	s13 =	simm.s32 $0x0  }
.LBB2_1:
0x18: {  	[tilespmem:s2], [sflag:$0x1] =	stream.strided.gather [hbm4b:s4+s5], $0x200, s6, s5, $0x38;
	[tilespmem:$0x6A80] =	vst v63  }
0x19: {  	s14 =	rddreg [dreg:$0x4];
	s15 =	simm.s32 $0x200  }
0x1a: {  	[tilespmem:s15], [sflag:$0x1] =	stream.strided.gather [hbm4b:s14+s5], $0x200, s6, s5, $0x38;
	[tilespmem:$0x6A80] =	vst v63  }
0x1b: {  	s17 =	rddreg [dreg:$0x5]  }
0x1c: {  	[tilespmem:s6], [sflag:$0x1] =	stream.strided.gather [hbm4b:s17+s5], $0x200, s6, s5, $0x38;
	[tilespmem:$0x6A80] =	vst v63  }
0x1d: {  	s15 =	rddreg [dreg:$0x6]  }
0x1e: {  	[tilespmem:s7], [sflag:$0x1] =	stream.strided.gather [hbm4b:s15+s5], $0x200, s6, s5, $0x38;
	[tilespmem:$0x6A80] =	vst v63  }
0x1f: {  	s16 =	rddreg [dreg:$0x7];
	s17 =	simm.s32 $0x800  }
0x20: {  	[tilespmem:s17], [sflag:$0x1] =	stream.strided.gather [hbm4b:s16+s5], $0x200, s6, s5, $0x38;
	[tilespmem:$0x6A80] =	vst v63  }
0x21: {  	s16 =	rddreg [dreg:$0x8];
	s17 =	simm.s32 $0xA00  }
0x22: {  	[tilespmem:s17], [sflag:$0x1] =	stream.strided.gather [hbm4b:s16+s5], $0x200, s6, s5, $0x38;
	[tilespmem:$0x6A80] =	vst v63  }
0x23: {  	s16 =	rddreg [dreg:$0x9];
	s17 =	simm.s32 $0xC00  }
0x24: {  	[tilespmem:s17], [sflag:$0x1] =	stream.strided.gather [hbm4b:s16+s5], $0x200, s6, s5, $0x38;
	[tilespmem:$0x6A80] =	vst v63  }
0x25: {  	s16 =	rddreg [dreg:$0xa];
	s17 =	simm.s32 $0xE00  }
0x26: {  	[tilespmem:s17], [sflag:$0x1] =	stream.strided.gather [hbm4b:s16+s5], $0x200, s6, s5, $0x38;
	[tilespmem:$0x6A80] =	vst v63  }
0x27: {  	s16 =	rddreg [dreg:$0xb];
	s17 =	simm.s32 $0x1000  }
0x28: {  	[tilespmem:s17], [sflag:$0x1] =	stream.strided.gather [hbm4b:s16+s5], $0x200, s6, s5, $0x38;
	[tilespmem:$0x6A80] =	vst v63  }
0x29: {  	s16 =	rddreg [dreg:$0xc];
	s17 =	simm.s32 $0x1200  }
0x2a: {  	[tilespmem:s17], [sflag:$0x1] =	stream.strided.gather [hbm4b:s16+s5], $0x200, s6, s5, $0x38;
	[tilespmem:$0x6A80] =	vst v63  }
0x2b: {  	s16 =	rddreg [dreg:$0xd];
	s17 =	simm.s32 $0x1400  }
0x2c: {  	[tilespmem:s17], [sflag:$0x1] =	stream.strided.gather [hbm4b:s16+s5], $0x200, s6, s5, $0x38;
	[tilespmem:$0x6A80] =	vst v63  }
0x2d: {  	s16 =	rddreg [dreg:$0xe];
	s17 =	simm.s32 $0x1600  }
0x2e: {  	[tilespmem:s17], [sflag:$0x1] =	stream.strided.gather [hbm4b:s16+s5], $0x200, s6, s5, $0x38;
	[tilespmem:$0x6A80] =	vst v63  }
0x2f: {  	s16 =	rddreg [dreg:$0xf];
	s17 =	simm.s32 $0x1800  }
0x30: {  	[tilespmem:s17], [sflag:$0x1] =	stream.strided.gather [hbm4b:s16+s5], $0x200, s6, s5, $0x38;
	[tilespmem:$0x6A80] =	vst v63  }
0x31: {  	s16 =	rddreg [dreg:$0x10];
	s17 =	simm.s32 $0x1A00  }
0x32: {  	[tilespmem:s17], [sflag:$0x1] =	stream.strided.gather [hbm4b:s16+s5], $0x200, s6, s5, $0x38;
	[tilespmem:$0x6A80] =	vst v63  }
0x33: {  	s16 =	simm.s32 $0x1C00  }
0x34: {  	[tilespmem:s16], [sflag:$0x1] =	stream.strided.gather [hbm4b:s18+s5], $0x200, s6, s5, $0x38;
	[tilespmem:$0x6A80] =	vst v63  }
0x35: {  	s17 =	simm.s32 $0x1E00  }
0x36: {  	[tilespmem:s17], [sflag:$0x1] =	stream.strided.gather [hbm4b:s19+s5], $0x200, s6, s5, $0x38;
	[tilespmem:$0x6A80] =	vst v63  }
0x37: {  	s15 =	simm.s32 $0x2000  }
0x38: {  	[tilespmem:s15], [sflag:$0x1] =	stream.strided.gather [hbm4b:s20+s5], $0x200, s6, s5, $0x38;
	[tilespmem:$0x6A80] =	vst v63  }
0x39: {  	s16 =	simm.s32 $0x2200  }
0x3a: {  	[tilespmem:s16], [sflag:$0x1] =	stream.strided.gather [hbm4b:s21+s5], $0x200, s6, s5, $0x38;
	[tilespmem:$0x6A80] =	vst v63  }
0x3b: {  	s17 =	simm.s32 $0x2400  }
0x3c: {  	[tilespmem:s17], [sflag:$0x1] =	stream.strided.gather [hbm4b:s23+s5], $0x200, s6, s5, $0x38;
	[tilespmem:$0x6A80] =	vst v63  }
0x3d: {  	s15 =	simm.s32 $0x2600  }
0x3e: {  	[tilespmem:s15], [sflag:$0x1] =	stream.strided.gather [hbm4b:s26+s5], $0x200, s6, s5, $0x38;
	[tilespmem:$0x6A80] =	vst v63  }
0x3f: {  	s16 =	simm.s32 $0x2800  }
0x40: {  	[tilespmem:s16], [sflag:$0x1] =	stream.strided.gather [hbm4b:s28+s5], $0x200, s6, s5, $0x38;
	[tilespmem:$0x6A80] =	vst v63  }
0x41: {  	s17 =	simm.s32 $0x2A00  }
0x42: {  	[tilespmem:s17], [sflag:$0x1] =	stream.strided.gather [hbm4b:s29+s5], $0x200, s6, s5, $0x38;
	[tilespmem:$0x6A80] =	vst v63  }
0x43: {  	s15 =	simm.s32 $0x2C00  }
0x44: {  	[tilespmem:s15], [sflag:$0x1] =	stream.strided.gather [hbm4b:s30+s5], $0x200, s6, s5, $0x38;
	[tilespmem:$0x6A80] =	vst v63  }
0x45: {  	_ = 	snop  }
0x46: {  	[tilespmem:s8], [sflag:$0x1] =	stream.strided.gather [hbm4b:s31+s5], $0x200, s6, s5, $0x38;
	[tilespmem:$0x6A80] =	vst v63  }
0x47: {  	s16 =	simm.s32 $0x3000  }
0x48: {  	[tilespmem:s16], [sflag:$0x1] =	stream.strided.gather [hbm4b:s0+s5], $0x200, s6, s5, $0x38;
	[tilespmem:$0x6A80] =	vst v63  }
0x49: {  	s17 =	simm.s32 $0x3200  }
0x4a: {  	[tilespmem:s17], [sflag:$0x1] =	stream.strided.gather [hbm4b:s1+s5], $0x200, s6, s5, $0x38;
	[tilespmem:$0x6A80] =	vst v63  }
0x4b: {  	s15 =	simm.s32 $0x6800  }
0x4c: {  	[tilespmem:s15], [sflag:$0x1] =	stream.linear.gather [hbm4b:s24+s2], $0x10, $0x38;
	[tilespmem:$0x6A80] =	vst v63  }
0x4d: {  	_ =	swait.ge [sflag:s9], $0x200  }
0x4e: {  	[sflag:s9] =	ssyncset.done $0x0  }
0x4f: {  	[sflag:s9] =	ssyncadd.s32 $0xFFFFFE00  }
0x50: {  	_ =	swait.ge [sflag:s9], $0x200  }
0x51: {  	[sflag:s9] =	ssyncset.done $0x0  }
0x52: {  	[sflag:s9] =	ssyncadd.s32 $0xFFFFFE00  }
0x53: {  	_ =	swait.ge [sflag:s9], $0x200  }
0x54: {  	[sflag:s9] =	ssyncset.done $0x0  }
0x55: {  	s16 =	simm.s32 $0x3400;
	[sflag:s9] =	ssyncadd.s32 $0xFFFFFE00  }
0x56: {  	[tilespmem:s16], [sflag:$0x2] =	stream.indirect.gather [hbm4b:s3+s7], $0x1, s2, s7, $0xb8;
	[tilespmem:$0x6A80] =	vst v63  }
0x57: {  	_ =	swait.ge [sflag:s9], $0x200  }
0x58: {  	[sflag:s9] =	ssyncset.done $0x0  }
0x59: {  	[sflag:s9] =	ssyncadd.s32 $0xFFFFFE00  }
0x5a: {  	_ =	swait.ge [sflag:s9], $0x200  }
0x5b: {  	[sflag:s9] =	ssyncset.done $0x0  }
0x5c: {  	[sflag:s9] =	ssyncadd.s32 $0xFFFFFE00  }
0x5d: {  	_ =	swait.ge [sflag:s9], $0x200  }
0x5e: {  	[sflag:s9] =	ssyncset.done $0x0  }
0x5f: {  	[sflag:s9] =	ssyncadd.s32 $0xFFFFFE00  }
0x60: {  	_ =	swait.ge [sflag:s9], $0x200  }
0x61: {  	[sflag:s9] =	ssyncset.done $0x0  }
0x62: {  	[sflag:s9] =	ssyncadd.s32 $0xFFFFFE00  }
0x63: {  	_ =	swait.ge [sflag:s9], $0x200  }
0x64: {  	[sflag:s9] =	ssyncset.done $0x0  }
0x65: {  	[sflag:s9] =	ssyncadd.s32 $0xFFFFFE00  }
0x66: {  	_ =	swait.ge [sflag:s9], $0x200  }
0x67: {  	[sflag:s9] =	ssyncset.done $0x0  }
0x68: {  	[sflag:s9] =	ssyncadd.s32 $0xFFFFFE00  }
0x69: {  	_ =	swait.ge [sflag:s9], $0x200  }
0x6a: {  	[sflag:s9] =	ssyncset.done $0x0  }
0x6b: {  	[sflag:s9] =	ssyncadd.s32 $0xFFFFFE00  }
0x6c: {  	_ =	swait.ge [sflag:s9], $0x200  }
0x6d: {  	[sflag:s9] =	ssyncset.done $0x0  }
0x6e: {  	[sflag:s9] =	ssyncadd.s32 $0xFFFFFE00  }
0x6f: {  	_ =	swait.ge [sflag:s9], $0x200  }
0x70: {  	[sflag:s9] =	ssyncset.done $0x0  }
0x71: {  	[sflag:s9] =	ssyncadd.s32 $0xFFFFFE00  }
0x72: {  	_ =	swait.ge [sflag:s9], $0x200  }
0x73: {  	[sflag:s9] =	ssyncset.done $0x0  }
0x74: {  	[sflag:s9] =	ssyncadd.s32 $0xFFFFFE00  }
0x75: {  	_ =	swait.ge [sflag:s9], $0x200  }
0x76: {  	[sflag:s9] =	ssyncset.done $0x0  }
0x77: {  	[sflag:s9] =	ssyncadd.s32 $0xFFFFFE00  }
0x78: {  	_ =	swait.ge [sflag:s9], $0x200  }
0x79: {  	[sflag:s9] =	ssyncset.done $0x0  }
0x7a: {  	[sflag:s9] =	ssyncadd.s32 $0xFFFFFE00  }
0x7b: {  	_ =	swait.ge [sflag:s9], $0x200  }
0x7c: {  	[sflag:s9] =	ssyncset.done $0x0  }
0x7d: {  	[sflag:s9] =	ssyncadd.s32 $0xFFFFFE00  }
0x7e: {  	_ =	swait.ge [sflag:s9], $0x200  }
0x7f: {  	[sflag:s9] =	ssyncset.done $0x0  }
0x80: {  	[sflag:s9] =	ssyncadd.s32 $0xFFFFFE00  }
0x81: {  	_ =	swait.ge [sflag:s9], $0x200  }
0x82: {  	[sflag:s9] =	ssyncset.done $0x0  }
0x83: {  	[sflag:s9] =	ssyncadd.s32 $0xFFFFFE00  }
0x84: {  	_ =	swait.ge [sflag:s9], $0x200  }
0x85: {  	[sflag:s9] =	ssyncset.done $0x0  }
0x86: {  	[sflag:s9] =	ssyncadd.s32 $0xFFFFFE00  }
0x87: {  	_ =	swait.ge [sflag:s9], $0x200  }
0x88: {  	[sflag:s9] =	ssyncset.done $0x0  }
0x89: {  	[sflag:s9] =	ssyncadd.s32 $0xFFFFFE00  }
0x8a: {  	_ =	swait.ge [sflag:s9], $0x200  }
0x8b: {  	[sflag:s9] =	ssyncset.done $0x0  }
0x8c: {  	[sflag:s9] =	ssyncadd.s32 $0xFFFFFE00  }
0x8d: {  	_ =	swait.ge [sflag:s9], $0x200  }
0x8e: {  	[sflag:s9] =	ssyncset.done $0x0  }
0x8f: {  	[sflag:s9] =	ssyncadd.s32 $0xFFFFFE00  }
0x90: {  	_ =	swait.ge [sflag:s9], $0x200  }
0x91: {  	[sflag:s9] =	ssyncset.done $0x0  }
0x92: {  	[sflag:s9] =	ssyncadd.s32 $0xFFFFFE00  }
0x93: {  	_ =	swait.ge [sflag:s9], $0x200  }
0x94: {  	[sflag:s9] =	ssyncset.done $0x0  }
0x95: {  	[sflag:s9] =	ssyncadd.s32 $0xFFFFFE00  }
0x96: {  	_ =	swait.ge [sflag:s9], $0x200  }
0x97: {  	[sflag:s9] =	ssyncset.done $0x0  }
0x98: {  	[sflag:s9] =	ssyncadd.s32 $0xFFFFFE00  }
0x99: {  	_ =	swait.ge [sflag:s9], $0x200  }
0x9a: {  	[sflag:s9] =	ssyncset.done $0x0  }
0x9b: {  	s17 =	simm.s32 $0x3A00;
	[sflag:s9] =	ssyncadd.s32 $0xFFFFFE00  }
0x9c: {  	[tilespmem:s17], [sflag:$0x2] =	stream.indirect.gather [hbm4b:s3+s8], $0x1, s7, s8, $0xb8;
	[tilespmem:$0x6A80] =	vst v63  }
0x9d: {  	_ =	swait.ge [sflag:s9], $0x10  }
0x9e: {  	[sflag:s9] =	ssyncset.done $0x0  }
0x9f: {  	[sflag:s9] =	ssyncadd.s32 $0xFFFFFFF0  }
0xa0: {  	v0 =	vld [tilespmem:$0x6800];
	_ =	swait.ge [sflag:s10], $0x600  }
0xa1: {  	[sflag:s10] =	ssyncset.done $0x0  }
0xa2: {  	[sflag:s10] =	ssyncadd.s32 $0xFFFFFA00  }
0xa3: {  	v1 =	vld [tilespmem:s16+$0x0];
	s16 =	sand.u32 $0x1F0, s2  }
0xa4: {  	v2 =	vld [tilespmem:s16+$0x3600]  }
0xa5: {  	v3 =	vld [tilespmem:s16+$0x3800];
	_ =	sdelay $0x4  }
0xa6: {  	v1 =	vadd.f32 v1, v0;
	v2 =	vadd.f32 v3, v2;
	_ =	sdelay $0x1  }
0xa7: {  	v1 =	vadd.f32 v2, v1;
	_ =	sdelay $0x1  }
0xa8: {  	s15 =	simm.s32 $0x3410;
	s17 =	simm.s32 $0x10;
	[tilespmem:s11+$0x0] =	vst v1  }
0xa9: {  	s17 =	sand.u32 $0x1F0, s17;
	v1 =	vld [tilespmem:s15+$0x0]  }
0xaa: {  	s14 =	simm.s32 $0x6880;
	s16 =	simm.s32 $0x20;
	v2 =	vld [tilespmem:s17+$0x3600]  }
.LBB2_2:
0xab: {  	p0 =	sne.s32 s16, $0x1F0;
	v3 =	vld [tilespmem:s17+$0x3800];
	_ =	sdelay $0x4  }
0xac: {  	v1 =	vadd.f32 v1, v0;
	v2 =	vadd.f32 v3, v2;
	_ =	sdelay $0x1  }
.Ltmp0:
0xad: {  	v1 =	vadd.f32 v2, v1;
	(pc) =	sbr.rel @p0 .LBB2_2-.Ltmp0, $4  }
0xae: {  	s14 =	sadd.s32 $0x10, s14  }
0xaf: {  	s15 =	sadd.s32 $0x10, s15;
	[tilespmem:s14+$0x0] =	vst v1  }
0xb0: {  	s17 =	sand.u32 $0x1F0, s16;
	v1 =	vld [tilespmem:s15+$0x0]  }
0xb1: {  	s16 =	sadd.s32 $0x10, s16;
	v2 =	vld [tilespmem:s17+$0x3600]  }
0xb2: {  	v3 =	vld [tilespmem:s17+$0x3800];
	_ =	sdelay $0x4  }
0xb3: {  	v0 =	vadd.f32 v1, v0;
	v1 =	vadd.f32 v3, v2;
	_ =	sdelay $0x1  }
0xb4: {  	v0 =	vadd.f32 v1, v0  }
0xb5: {  	s14 =	sadd.s32 $0x10, s14  }
0xb6: {  	[tilespmem:s14+$0x0] =	vst v0  }
0xb7: {  	_ =	swait.ge [sflag:s10], $0x2E00  }
0xb8: {  	s17 =	simm.s32 $0x0;
	[sflag:s10] =	ssyncset.done $0x0  }
0xb9: {  	s16 =	sand.u32 $0x1F0, s17;
	[sflag:s10] =	ssyncadd.s32 $0xFFFFD200  }
0xba: {  	v0 =	vld [tilespmem:s16+$0x5800]  }
0xbb: {  	v1 =	vld [tilespmem:s16+$0x5A00]  }
0xbc: {  	v2 =	vld [tilespmem:s16+$0x5C00]  }
0xbd: {  	v3 =	vld [tilespmem:s16+$0x5E00]  }
0xbe: {  	v4 =	vld [tilespmem:s16+$0x6000]  }
0xbf: {  	v5 =	vld [tilespmem:s16+$0x6200]  }
0xc0: {  	v6 =	vld [tilespmem:s16+$0x6400]  }
0xc1: {  	v7 =	vld [tilespmem:s16+$0x6600]  }
0xc2: {  	s14 =	simm.s32 $0x6880;
	v8 =	vld [tilespmem:s16+$0x3A00]  }
0xc3: {  	v9 =	vld [tilespmem:s14+$0x0]  }
0xc4: {  	v10 =	vld [tilespmem:s16+$0x3C00]  }
0xc5: {  	v11 =	vld [tilespmem:s16+$0x3E00]  }
0xc6: {  	v12 =	vld [tilespmem:s16+$0x4000]  }
0xc7: {  	v13 =	vld [tilespmem:s16+$0x4200]  }
0xc8: {  	v14 =	vld [tilespmem:s16+$0x4400]  }
0xc9: {  	v15 =	vld [tilespmem:s16+$0x4600]  }
0xca: {  	v16 =	vld [tilespmem:s16+$0x4800]  }
0xcb: {  	v17 =	vld [tilespmem:s16+$0x4A00]  }
0xcc: {  	v18 =	vld [tilespmem:s16+$0x4C00]  }
0xcd: {  	v19 =	vld [tilespmem:s16+$0x4E00]  }
0xce: {  	v20 =	vld [tilespmem:s16+$0x5000]  }
0xcf: {  	v21 =	vld [tilespmem:s16+$0x5200]  }
0xd0: {  	s15 =	simm.s32 $0x10;
	v22 =	vld [tilespmem:s16+$0x5400]  }
.LBB2_4:
0xd1: {  	p0 =	sne.s32 s15, $0x1F0;
	v23 =	vld [tilespmem:s16+$0x5600];
	v0 =	vadd.f32 v1, v0;
	v1 =	vadd.f32 v3, v2  }
0xd2: {  	v2 =	vadd.f32 v5, v4;
	v3 =	vadd.f32 v7, v6  }
0xd3: {  	v4 =	vadd.f32 v8, v9;
	v5 =	vadd.f32 v11, v10  }
0xd4: {  	v6 =	vadd.f32 v13, v12;
	v7 =	vadd.f32 v15, v14  }
0xd5: {  	v8 =	vadd.f32 v17, v16;
	v9 =	vadd.f32 v19, v18  }
0xd6: {  	v10 =	vadd.f32 v21, v20;
	v11 =	vadd.f32 v23, v22  }
0xd7: {  	v4 =	vadd.f32 v5, v4;
	v5 =	vadd.f32 v7, v6  }
0xd8: {  	v6 =	vadd.f32 v9, v8;
	v7 =	vadd.f32 v11, v10  }
0xd9: {  	v0 =	vadd.f32 v1, v0;
	v1 =	vadd.f32 v3, v2  }
0xda: {  	v2 =	vadd.f32 v5, v4;
	v3 =	vadd.f32 v7, v6;
	_ =	sdelay $0x1  }
0xdb: {  	v0 =	vadd.f32 v1, v0;
	v1 =	vadd.f32 v3, v2;
	_ =	sdelay $0x1  }
0xdc: {  	v0 =	vadd.f32 v0, v1;
	_ =	sdelay $0x1  }
0xdd: {  	v0 =	vsub.f32 $0.0e+00, v0;
	_ =	sdelay $0x1  }
0xde: {  	v0 =	vmul.f32 $1.442695020e+00, v0;
	_ =	sdelay $0x1  }
0xdf: {  	(erf) = vpow2.f32 v0;
	_ =	sdelay $0x8  }
0xe0: {  	v0 =	vpop (erf)  }
0xe1: {  	v0 =	vadd.f32 $1.000000000e+00, v0;
	_ =	sdelay $0x1  }
0xe2: {  	(erf) = vrcp.f32 v0;
	_ =	sdelay $0x8  }
0xe3: {  	v0 =	vpop (erf)  }
0xe4: {  	s16 =	sand.u32 $0x1F0, s15;
	[tilespmem:s14+$0x0] =	vst v0  }
0xe5: {  	v0 =	vld [tilespmem:s16+$0x5800]  }
0xe6: {  	v1 =	vld [tilespmem:s16+$0x5A00]  }
0xe7: {  	v2 =	vld [tilespmem:s16+$0x5C00]  }
0xe8: {  	v3 =	vld [tilespmem:s16+$0x5E00]  }
0xe9: {  	v4 =	vld [tilespmem:s16+$0x6000]  }
0xea: {  	v5 =	vld [tilespmem:s16+$0x6200]  }
0xeb: {  	v6 =	vld [tilespmem:s16+$0x6400]  }
0xec: {  	v7 =	vld [tilespmem:s16+$0x6600]  }
0xed: {  	s14 =	sadd.s32 $0x10, s14;
	v8 =	vld [tilespmem:s16+$0x3A00]  }
0xee: {  	v9 =	vld [tilespmem:s14+$0x0]  }
0xef: {  	v10 =	vld [tilespmem:s16+$0x3C00]  }
0xf0: {  	v11 =	vld [tilespmem:s16+$0x3E00]  }
0xf1: {  	v12 =	vld [tilespmem:s16+$0x4000]  }
0xf2: {  	v13 =	vld [tilespmem:s16+$0x4200]  }
0xf3: {  	v14 =	vld [tilespmem:s16+$0x4400]  }
0xf4: {  	v15 =	vld [tilespmem:s16+$0x4600]  }
0xf5: {  	v16 =	vld [tilespmem:s16+$0x4800]  }
0xf6: {  	v17 =	vld [tilespmem:s16+$0x4A00]  }
.Ltmp1:
0xf7: {  	v18 =	vld [tilespmem:s16+$0x4C00];
	(pc) =	sbr.rel @p0 .LBB2_4-.Ltmp1, $4  }
0xf8: {  	v19 =	vld [tilespmem:s16+$0x4E00]  }
0xf9: {  	v20 =	vld [tilespmem:s16+$0x5000]  }
0xfa: {  	v21 =	vld [tilespmem:s16+$0x5200]  }
0xfb: {  	s15 =	sadd.s32 $0x10, s15;
	v22 =	vld [tilespmem:s16+$0x5400]  }
0xfc: {  	v23 =	vld [tilespmem:s16+$0x5600];
	v0 =	vadd.f32 v1, v0;
	v46 =	vadd.f32 v3, v2  }
0xfd: {  	v47 =	vadd.f32 v5, v4;
	v48 =	vadd.f32 v7, v6  }
0xfe: {  	v49 =	vadd.f32 v8, v9;
	v50 =	vadd.f32 v11, v10  }
0xff: {  	v51 =	vadd.f32 v13, v12;
	v52 =	vadd.f32 v15, v14  }
0x100: {  	v53 =	vadd.f32 v17, v16;
	v54 =	vadd.f32 v19, v18  }
0x101: {  	v55 =	vadd.f32 v21, v20;
	v56 =	vadd.f32 v23, v22  }
0x102: {  	v4 =	vadd.f32 v50, v49;
	v57 =	vadd.f32 v52, v51  }
0x103: {  	v58 =	vadd.f32 v54, v53;
	v59 =	vadd.f32 v56, v55  }
0x104: {  	v0 =	vadd.f32 v46, v0;
	v60 =	vadd.f32 v48, v47  }
0x105: {  	v61 =	vadd.f32 v57, v4;
	v62 =	vadd.f32 v59, v58;
	_ =	sdelay $0x1  }
0x106: {  	v0 =	vadd.f32 v60, v0;
	v63 =	vadd.f32 v62, v61;
	_ =	sdelay $0x1  }
0x107: {  	v0 =	vadd.f32 v0, v63;
	_ =	sdelay $0x1  }
0x108: {  	v0 =	vsub.f32 $0.0e+00, v0;
	_ =	sdelay $0x1  }
0x109: {  	v0 =	vmul.f32 $1.442695020e+00, v0;
	_ =	sdelay $0x1  }
0x10a: {  	(erf) = vpow2.f32 v0;
	_ =	sdelay $0x8  }
0x10b: {  	v0 =	vpop (erf)  }
0x10c: {  	v0 =	vadd.f32 $1.000000000e+00, v0;
	_ =	sdelay $0x1  }
0x10d: {  	(erf) = vrcp.f32 v0;
	_ =	sdelay $0x7  }
0x10e: {  	s13 =	sadd.s32 $0x1, s13  }
0x10f: {  	p0 =	sne.s32 s13, s25;
	v0 =	vpop (erf)  }
.Ltmp2:
0x110: {  	[tilespmem:s14+$0x0] =	vst v0;
	(pc) =	sbr.rel @p0 .LBB2_1-.Ltmp2, $4  }
0x111: {  	[hbm4b:s22+s2] =	stream.linear.scatter [tilespmem:s11], [sflag:$0x3], $0x200, $0x38;
	[tilespmem:$0x6A80] =	vst v63  }
0x112: {  	_ =	swait.ge [sflag:s12], $0x200  }
0x113: {  	[sflag:s12] =	ssyncset.done $0x0  }
0x114: {  	[sflag:s12] =	ssyncadd.s32 $0xFFFFFE00  }
0x115: {  	_ =	sfence.sel $0x180000  }
0x116: {  	[bflag:$0x0] =	sbarrier.arrive $0xFFFF  }
0x117: {  	_ =	strace $0x90000047  }
0x118: {  	s0 =	stileid.u32;
	[bflag:$0x2] =	sbarrier.arrive $0xFFFF  }
0x119: {  	p0 =	sne.s32 s0, $0x0;
	s0 =	rddreg [dreg:$0x3]  }
0x11a: {  	s0 =	sadd.s32 @!p0 $0x100000, s0  }
0x11b: {  	[sflag:s0] =	ssyncadd.tile.s32 @!p0 $0x1;
	_ =	shalt  }
.Lfunc_end2:
_tile_overlayer_lowered:
.L_overlay_start_2:
0x11c: {  	(tag) =	ssettag $0x2  }
0x11d: {  	s0 =	rddreg [dreg:$0x0];
	s2 =	stileid.u32  }
0x11e: {  	s1 =	rddreg [dreg:$0x1];
	p0 =	sne.s32 s2, $0x0  }
0x11f: {  	s3 =	rddreg [dreg:$0x2];
	[bflag:$0x3] =	sbarrier.arrive $0xFFFF;
	s2 =	simm.s32 @!p0 $0x1C03  }
0x120: {  	[timem:s3], [sflag:s2] =	dma.local @!p0 [hbm:s0], s1  }
0x121: {  	s0 =	simm.s32 @!p0 $0x3  }
0x122: {  	_ =	swait.ge @!p0 [sflag:s0], s1  }
0x123: {  	s1 =	ssub.s32 @!p0 $0x0, s1;
	[sflag:s0] =	ssyncset.done @!p0 $0x0  }
0x124: {  	[sflag:s0] =	ssyncadd.s32 @!p0 s1  }
0x125: {  	[bflag:$0x3] =	sbarrier.arrive $0xFFFF  }
0x126: {  	_ =	shalt  }

</sc_bundles>
